<compile_context>
chip_gen: v7x
topology: tpu7x:2x2x1
jax: 0.10.2.dev20260603
libtpu: 0.0.44.dev20260713+nightly
codegen_flags: <defaults>
</compile_context>

<pallas_src>
import functools

import jax
import jax.numpy as jnp
from jax import lax
from jax.experimental import pallas as pl
from jax.experimental.pallas import tpu as pltpu
from jax.experimental.pallas import tpu_sc as plsc

N = 10000
E = 320000
H = 128

NC = 2
NS = 16
NW = NC * NS
EPW = E // NW
CHUNK = 80
NCHUNK = EPW // CHUNK
NP = 10240
RPT = NP // NS

_MESH = plsc.VectorSubcoreMesh(core_axis_name="c", subcore_axis_name="s")


NBUF = 2


def _scatter_body(h_hbm, src_hbm, dst_hbm, zeros_hbm, out0_hbm, out1_hbm,
                  acc, srcv, dstv, *rest):
    rows = rest[:NBUF]
    gsem = rest[NBUF:2 * NBUF]
    ssem = rest[2 * NBUF:]
    c = lax.axis_index("c")
    s = lax.axis_index("s")
    wid = c * NS + s

    row0 = s * RPT
    pltpu.sync_copy(zeros_hbm, acc.at[pl.ds(row0, RPT)])
    pltpu.sync_copy(src_hbm.at[pl.ds(wid * EPW, EPW)], srcv)
    pltpu.sync_copy(dst_hbm.at[pl.ds(wid * EPW, EPW)], dstv)

    def _scatter_desc(k, b):
        return pltpu.make_async_copy(
            rows[b], acc.at[dstv.at[pl.ds(k * CHUNK, CHUNK)]], ssem[b])

    for b in range(NBUF - 1):
        pltpu.async_copy(h_hbm.at[srcv.at[pl.ds(b * CHUNK, CHUNK)]],
                         rows[b], gsem[b])
    plsc.subcore_barrier()

    @pl.loop(0, 62)
    def _group(jj):
        for b in range(NBUF):
            k = jj * NBUF + b
            b2 = (b - 1) % NBUF
            pltpu.make_async_copy(h_hbm.at[pl.ds(0, CHUNK)], rows[b],
                                  gsem[b]).wait()

            m = k + NBUF - 1

            @pl.when(m < 124)
            def _():
                pltpu.async_copy(
                    h_hbm.at[srcv.at[pl.ds(m * CHUNK, CHUNK)]],
                    rows[b2], gsem[b2])
    plsc.subcore_barrier()

    @pl.when(c == 0)
    def _():
        pltpu.sync_copy(acc.at[pl.ds(row0, RPT)], out0_hbm.at[pl.ds(row0, RPT)])

    @pl.when(c == 1)
    def _():
        pltpu.sync_copy(acc.at[pl.ds(row0, RPT)], out1_hbm.at[pl.ds(row0, RPT)])


_scatter = pl.kernel(
    _scatter_body,
    out_type=(jax.ShapeDtypeStruct((NP, H), jnp.float32),
              jax.ShapeDtypeStruct((NP, H), jnp.float32)),
    mesh=_MESH,
    scratch_types=[
        pltpu.VMEM_SHARED((NP, H), jnp.float32),
        pltpu.VMEM((EPW,), jnp.int32),
        pltpu.VMEM((EPW,), jnp.int32),
    ] + [pltpu.VMEM((CHUNK, H), jnp.float32) for _ in range(NBUF)]
      + [pltpu.SemaphoreType.DMA for _ in range(2 * NBUF)],
)


BM = 1000


def _layer_tc(p0_ref, p1_ref, w_ref, b_ref, h_ref):
    m = p0_ref[...] + p1_ref[...]
    y = jnp.dot(m, w_ref[...], preferred_element_type=jnp.float32) + b_ref[...]
    h_ref[...] = jnp.where(y > 0, y, 0.1 * y)


def _layer_call(p0, p1, W, b):
    return pl.pallas_call(
        _layer_tc,
        grid=(N // BM,),
        in_specs=[
            pl.BlockSpec((BM, H), lambda i: (i, 0)),
            pl.BlockSpec((BM, H), lambda i: (i, 0)),
            pl.BlockSpec((H, H), lambda i: (0, 0)),
            pl.BlockSpec((1, H), lambda i: (0, 0)),
        ],
        out_specs=pl.BlockSpec((BM, H), lambda i: (i, 0)),
        out_shape=jax.ShapeDtypeStruct((N, H), jnp.float32),
    )(p0, p1, W, b.reshape(1, H))


def _final_tc(p0_ref, p1_ref, w2_ref, b2_ref, x_ref, h1_ref, h2_ref,
              wo_ref, bo_ref, out_ref):
    m = p0_ref[...] + p1_ref[...]
    y = jnp.dot(m, w2_ref[...], preferred_element_type=jnp.float32) + b2_ref[...]
    h3 = jnp.where(y > 0, y, 0.1 * y)
    o = (jnp.dot(x_ref[...], wo_ref[0], preferred_element_type=jnp.float32)
         + jnp.dot(h1_ref[...], wo_ref[1], preferred_element_type=jnp.float32)
         + jnp.dot(h2_ref[...], wo_ref[2], preferred_element_type=jnp.float32)
         + jnp.dot(h3, wo_ref[3], preferred_element_type=jnp.float32)
         + bo_ref[...])
    out_ref[...] = jnp.where(o > 0, o, 0.1 * o)


def _final_call(p0, p1, W2, b2, x, h1, h2, W_out, b_out):
    return pl.pallas_call(
        _final_tc,
        grid=(N // BM,),
        in_specs=[
            pl.BlockSpec((BM, H), lambda i: (i, 0)),
            pl.BlockSpec((BM, H), lambda i: (i, 0)),
            pl.BlockSpec((H, H), lambda i: (0, 0)),
            pl.BlockSpec((1, H), lambda i: (0, 0)),
            pl.BlockSpec((BM, H), lambda i: (i, 0)),
            pl.BlockSpec((BM, H), lambda i: (i, 0)),
            pl.BlockSpec((BM, H), lambda i: (i, 0)),
            pl.BlockSpec((4, H, H), lambda i: (0, 0, 0)),
            pl.BlockSpec((1, H), lambda i: (0, 0)),
        ],
        out_specs=pl.BlockSpec((BM, H), lambda i: (i, 0)),
        out_shape=jax.ShapeDtypeStruct((N, H), jnp.float32),
    )(p0, p1, W2, b2.reshape(1, H), x, h1, h2,
      W_out.reshape(4, H, H), b_out.reshape(1, H))


def kernel(x, edge_index, W0, b0, W1, b1, W2, b2, W_out, b_out):
    src = edge_index[0]
    dst = edge_index[1]
    zeros = jnp.zeros((RPT, H), jnp.float32)

    p0a, p0b = _scatter(x, src, dst, zeros)
    h1 = _layer_call(p0a, p0b, W0, b0)
    p1a, p1b = _scatter(h1, src, dst, zeros)
    h2 = _layer_call(p1a, p1b, W1, b1)
    p2a, p2b = _scatter(h2, src, dst, zeros)
    return _final_call(p2a, p2b, W2, b2, x, h1, h2, W_out, b_out)

# --- scband reference (transcript-rebuilt; emitter-appended) ---
"""Pipeline reference for scband-model-7876970021389 (READ-ONLY COPY).

The authoritative reference and input builder live on the scoring server;
editing this copy changes nothing except your own understanding.
"""

import jax, jax.numpy as jnp
import numpy as np

N = 10000
E = 320000
D = 128   # site_input_dim
H = 128   # hidden_site
DEPTH = 3 # GNNsite_depth
P = 128   # hidden_prot


def setup_inputs(seed: int = 0) -> dict:
    key = jax.random.key(seed)
    ks = jax.random.split(key, 12)
    x = jax.random.normal(ks[0], (N, D), dtype=jnp.float32)
    edge_index = jax.random.randint(ks[1], (2, E), 0, N, dtype=jnp.int32)
    s = 1.0 / np.sqrt(D)
    W0 = jax.random.uniform(ks[2], (D, H), jnp.float32, -s, s)
    b0 = jax.random.uniform(ks[3], (H,), jnp.float32, -s, s)
    sh = 1.0 / np.sqrt(H)
    W1 = jax.random.uniform(ks[4], (H, H), jnp.float32, -sh, sh)
    b1 = jax.random.uniform(ks[5], (H,), jnp.float32, -sh, sh)
    W2 = jax.random.uniform(ks[6], (H, H), jnp.float32, -sh, sh)
    b2 = jax.random.uniform(ks[7], (H,), jnp.float32, -sh, sh)
    cat_dim = D + DEPTH * H
    so = 1.0 / np.sqrt(cat_dim)
    W_out = jax.random.uniform(ks[8], (cat_dim, P), jnp.float32, -so, so)
    b_out = jax.random.uniform(ks[9], (P,), jnp.float32, -so, so)
    return {"x": x, "edge_index": edge_index, "W0": W0, "b0": b0,
            "W1": W1, "b1": b1, "W2": W2, "b2": b2,
            "W_out": W_out, "b_out": b_out}


def reference(x, edge_index, W0, b0, W1, b1, W2, b2, W_out, b_out):
    # AtomConv_module of PocketAnchor: stacked message-passing AtomConv layers
    # with jumping-knowledge concat + output projection, LeakyReLU(0.1).
    src = edge_index[0]
    dst = edge_index[1]
    n = x.shape[0]

    def atom_conv(h, W, b):
        msg = jax.ops.segment_sum(jnp.take(h, src, axis=0), dst, num_segments=n)
        return jax.nn.leaky_relu(msg @ W + b, negative_slope=0.1)

    feats = [x]
    h = x
    for W, b in ((W0, b0), (W1, b1), (W2, b2)):
        h = atom_conv(h, W, b)
        feats.append(h)
    cat = jnp.concatenate(feats, axis=-1)
    out = jax.nn.leaky_relu(cat @ W_out + b_out, negative_slope=0.1)
    return out

if __name__ == "__main__":
    import jax
    _d = setup_inputs()
    print(jax.jit(kernel)(*tuple(_d.values())))

</pallas_src>

<mosaic_0001>
#map = affine_map<(d0, d1) -> (0, 0)>
#map1 = affine_map<(d0, d1) -> (0)>
module attributes {stable_mosaic.version = 14 : i64} {
  func.func @_scatter_body(%arg0: i32, %arg1: i32, %arg2: memref<10000x128xf32, #tpu.memory_space<hbm>>, %arg3: memref<320000xi32, #tpu.memory_space<hbm>>, %arg4: memref<320000xi32, #tpu.memory_space<hbm>>, %arg5: memref<640x128xf32, #tpu.memory_space<hbm>>, %arg6: memref<10240x128xf32, #tpu.memory_space<hbm>>, %arg7: memref<10240x128xf32, #tpu.memory_space<hbm>>, %arg8: memref<10240x128xf32, #tpu.memory_space<vmem_shared>>, %arg9: memref<10000xi32, #tpu.memory_space<vmem>>, %arg10: memref<10000xi32, #tpu.memory_space<vmem>>, %arg11: memref<80x128xf32, #tpu.memory_space<vmem>>, %arg12: memref<80x128xf32, #tpu.memory_space<vmem>>, %arg13: memref<!tpu.dma_semaphore, #tpu.memory_space<semaphore_mem>>, %arg14: memref<!tpu.dma_semaphore, #tpu.memory_space<semaphore_mem>>, %arg15: memref<!tpu.dma_semaphore, #tpu.memory_space<semaphore_mem>>, %arg16: memref<!tpu.dma_semaphore, #tpu.memory_space<semaphore_mem>>) attributes {dimension_semantics = [#tpu.dimension_semantics<core_parallel>, #tpu.dimension_semantics<subcore_parallel>], iteration_bounds = array<i64: 2, 16>, scalar_prefetch = 0 : i64, scratch_operands = 9 : i64, tpu.core_type = #tpu.core_type<sc_vector_subcore>, window_params = [{transform_indices = #map}, {transform_indices = #map1}, {transform_indices = #map1}, {transform_indices = #map}, {transform_indices = #map}, {transform_indices = #map}]} {
    %mul3A = arith.constant 16 : i32
    %mul3A_0 = arith.muli %arg0, %mul3A : i32
    %add3A = arith.addi %mul3A_0, %arg1 : i32
    %mul3A_1 = arith.constant 640 : i32
    %mul3A_2 = arith.muli %arg1, %mul3A_1 : i32
    "tpu.region"() ({
      %run_scoped3A = tpu.sem_alloc : memref<!tpu.dma_semaphore, #tpu.memory_space<semaphore_mem>>
      %dma_start3A_23 = arith.constant 0 : i32
      %dma_start3A_24 = tpu.memref_slice %arg8[%mul3A_2, %dma_start3A_23] : memref<10240x128xf32, #tpu.memory_space<vmem_shared>> -> memref<640x128xf32, #tpu.memory_space<vmem_shared>>
      tpu.enqueue_dma source(%arg5 : memref<640x128xf32, #tpu.memory_space<hbm>>) target(%dma_start3A_24 : memref<640x128xf32, #tpu.memory_space<vmem_shared>>) target_semaphore(%run_scoped3A : memref<!tpu.dma_semaphore, #tpu.memory_space<semaphore_mem>>)
      %dma_wait3A = arith.constant 0 : i32
      %dma_wait3A_25 = tpu.memref_slice %arg8[%mul3A_2, %dma_wait3A] : memref<10240x128xf32, #tpu.memory_space<vmem_shared>> -> memref<640x128xf32, #tpu.memory_space<vmem_shared>>
      tpu.wait_dma2 semaphore(%run_scoped3A : memref<!tpu.dma_semaphore, #tpu.memory_space<semaphore_mem>>) src(%arg5 : memref<640x128xf32, #tpu.memory_space<hbm>>) dst(%dma_wait3A_25 : memref<640x128xf32, #tpu.memory_space<vmem_shared>>)
      tpu.yield
    }) : () -> ()
    %mul3A_3 = arith.constant 10000 : i32
    %mul3A_4 = arith.muli %add3A, %mul3A_3 : i32
    "tpu.region"() ({
      %run_scoped3A = tpu.sem_alloc : memref<!tpu.dma_semaphore, #tpu.memory_space<semaphore_mem>>
      %dma_start3A_23 = tpu.memref_slice %arg3[%mul3A_4] : memref<320000xi32, #tpu.memory_space<hbm>> -> memref<10000xi32, #tpu.memory_space<hbm>>
      %dma_start3A_24 = tpu.memref_slice %arg3[%mul3A_4] : memref<320000xi32, #tpu.memory_space<hbm>> -> memref<10000xi32, #tpu.memory_space<hbm>>
      tpu.enqueue_dma source(%dma_start3A_24 : memref<10000xi32, #tpu.memory_space<hbm>>) target(%arg9 : memref<10000xi32, #tpu.memory_space<vmem>>) target_semaphore(%run_scoped3A : memref<!tpu.dma_semaphore, #tpu.memory_space<semaphore_mem>>)
      %dma_wait3A = tpu.memref_slice %arg3[%mul3A_4] : memref<320000xi32, #tpu.memory_space<hbm>> -> memref<10000xi32, #tpu.memory_space<hbm>>
      %dma_wait3A_25 = tpu.memref_slice %arg3[%mul3A_4] : memref<320000xi32, #tpu.memory_space<hbm>> -> memref<10000xi32, #tpu.memory_space<hbm>>
      tpu.wait_dma2 semaphore(%run_scoped3A : memref<!tpu.dma_semaphore, #tpu.memory_space<semaphore_mem>>) src(%dma_wait3A_25 : memref<10000xi32, #tpu.memory_space<hbm>>) dst(%arg9 : memref<10000xi32, #tpu.memory_space<vmem>>)
      tpu.yield
    }) : () -> ()
    %mul3A_5 = arith.constant 10000 : i32
    %mul3A_6 = arith.muli %add3A, %mul3A_5 : i32
    "tpu.region"() ({
      %run_scoped3A = tpu.sem_alloc : memref<!tpu.dma_semaphore, #tpu.memory_space<semaphore_mem>>
      %dma_start3A_23 = tpu.memref_slice %arg4[%mul3A_6] : memref<320000xi32, #tpu.memory_space<hbm>> -> memref<10000xi32, #tpu.memory_space<hbm>>
      %dma_start3A_24 = tpu.memref_slice %arg4[%mul3A_6] : memref<320000xi32, #tpu.memory_space<hbm>> -> memref<10000xi32, #tpu.memory_space<hbm>>
      tpu.enqueue_dma source(%dma_start3A_24 : memref<10000xi32, #tpu.memory_space<hbm>>) target(%arg10 : memref<10000xi32, #tpu.memory_space<vmem>>) target_semaphore(%run_scoped3A : memref<!tpu.dma_semaphore, #tpu.memory_space<semaphore_mem>>)
      %dma_wait3A = tpu.memref_slice %arg4[%mul3A_6] : memref<320000xi32, #tpu.memory_space<hbm>> -> memref<10000xi32, #tpu.memory_space<hbm>>
      %dma_wait3A_25 = tpu.memref_slice %arg4[%mul3A_6] : memref<320000xi32, #tpu.memory_space<hbm>> -> memref<10000xi32, #tpu.memory_space<hbm>>
      tpu.wait_dma2 semaphore(%run_scoped3A : memref<!tpu.dma_semaphore, #tpu.memory_space<semaphore_mem>>) src(%dma_wait3A_25 : memref<10000xi32, #tpu.memory_space<hbm>>) dst(%arg10 : memref<10000xi32, #tpu.memory_space<vmem>>)
      tpu.yield
    }) : () -> ()
    %dma_start3A = arith.constant 0 : i32
    %dma_start3A_7 = tpu.memref_slice %arg9[%dma_start3A] : memref<10000xi32, #tpu.memory_space<vmem>> -> memref<80xi32, #tpu.memory_space<vmem>>
    %dma_start3A_8 = arith.constant 0 : i32
    %dma_start3A_9 = arith.constant 0 : i32
    %dma_start3A_10 = tpu.memref_slice %arg2[%dma_start3A_8, %dma_start3A_9] : memref<10000x128xf32, #tpu.memory_space<hbm>> -> memref<10000x128xf32, #tpu.memory_space<hbm>>
    tpu.enqueue_indirect_dma source(%dma_start3A_10 : memref<10000x128xf32, #tpu.memory_space<hbm>>) target(%arg11 : memref<80x128xf32, #tpu.memory_space<vmem>>) offsets(%dma_start3A_7 : memref<80xi32, #tpu.memory_space<vmem>>) semaphore(%arg13 : memref<!tpu.dma_semaphore, #tpu.memory_space<semaphore_mem>>)
    %barrier3A = arith.constant 0 : index
    tpu.barrier barrier_id(%barrier3A)
    %scan3A = arith.constant 0 : i32
    %scan3A_11 = arith.constant 62 : i32
    %scan3A_12 = arith.addi %scan3A, %scan3A_11 : i32
    %scan3A_13 = arith.constant 1 : i32
    scf.for %scan3A_23 = %scan3A to %scan3A_12 step %scan3A_13  : i32 {
      %mul3A_24 = arith.constant 1 : i32
      %mul3A_25 = arith.muli %scan3A_23, %mul3A_24 : i32
      %add3A_26 = arith.constant 0 : i32
      %add3A_27 = arith.addi %add3A_26, %mul3A_25 : i32
      %mul3A_28 = arith.constant 2 : i32
      %mul3A_29 = arith.muli %add3A_27, %mul3A_28 : i32
      %add3A_30 = arith.constant 0 : i32
      %add3A_31 = arith.addi %mul3A_29, %add3A_30 : i32
      %dma_wait3A = arith.constant 0 : i32
      %dma_wait3A_32 = arith.constant 0 : i32
      %dma_wait3A_33 = tpu.memref_slice %arg2[%dma_wait3A, %dma_wait3A_32] : memref<10000x128xf32, #tpu.memory_space<hbm>> -> memref<80x128xf32, #tpu.memory_space<hbm>>
      %dma_wait3A_34 = arith.constant 0 : i32
      %dma_wait3A_35 = arith.constant 0 : i32
      %dma_wait3A_36 = tpu.memref_slice %arg2[%dma_wait3A_34, %dma_wait3A_35] : memref<10000x128xf32, #tpu.memory_space<hbm>> -> memref<80x128xf32, #tpu.memory_space<hbm>>
      tpu.wait_dma2 semaphore(%arg13 : memref<!tpu.dma_semaphore, #tpu.memory_space<semaphore_mem>>) src(%dma_wait3A_36 : memref<80x128xf32, #tpu.memory_space<hbm>>) dst(%arg11 : memref<80x128xf32, #tpu.memory_space<vmem>>)
      %add3A_37 = arith.constant 2 : i32
      %add3A_38 = arith.addi %add3A_31, %add3A_37 : i32
      %sub3A = arith.constant 1 : i32
      %sub3A_39 = arith.subi %add3A_38, %sub3A : i32
      %lt3A = arith.constant 124 : i32
      %lt3A_40 = arith.cmpi slt, %sub3A_39, %lt3A : i32
      %convert_element_type3A_41 = arith.extui %lt3A_40 : i1 to i32
      %cond3A_42 = arith.constant 0 : i32
      %cond3A_43 = arith.cmpi ne, %convert_element_type3A_41, %cond3A_42 : i32
      scf.if %cond3A_43 {
        %mul3A_63 = arith.constant 80 : i32
        %mul3A_64 = arith.muli %sub3A_39, %mul3A_63 : i32
        %dma_start3A_65 = tpu.memref_slice %arg9[%mul3A_64] : memref<10000xi32, #tpu.memory_space<vmem>> -> memref<80xi32, #tpu.memory_space<vmem>>
        %dma_start3A_66 = arith.constant 0 : i32
        %dma_start3A_67 = arith.constant 0 : i32
        %dma_start3A_68 = tpu.memref_slice %arg2[%dma_start3A_66, %dma_start3A_67] : memref<10000x128xf32, #tpu.memory_space<hbm>> -> memref<10000x128xf32, #tpu.memory_space<hbm>>
        tpu.enqueue_indirect_dma source(%dma_start3A_68 : memref<10000x128xf32, #tpu.memory_space<hbm>>) target(%arg12 : memref<80x128xf32, #tpu.memory_space<vmem>>) offsets(%dma_start3A_65 : memref<80xi32, #tpu.memory_space<vmem>>) semaphore(%arg14 : memref<!tpu.dma_semaphore, #tpu.memory_space<semaphore_mem>>)
      } else {
      }
      %mul3A_44 = arith.constant 2 : i32
      %mul3A_45 = arith.muli %add3A_27, %mul3A_44 : i32
      %add3A_46 = arith.constant 1 : i32
      %add3A_47 = arith.addi %mul3A_45, %add3A_46 : i32
      %dma_wait3A_48 = arith.constant 0 : i32
      %dma_wait3A_49 = arith.constant 0 : i32
      %dma_wait3A_50 = tpu.memref_slice %arg2[%dma_wait3A_48, %dma_wait3A_49] : memref<10000x128xf32, #tpu.memory_space<hbm>> -> memref<80x128xf32, #tpu.memory_space<hbm>>
      %dma_wait3A_51 = arith.constant 0 : i32
      %dma_wait3A_52 = arith.constant 0 : i32
      %dma_wait3A_53 = tpu.memref_slice %arg2[%dma_wait3A_51, %dma_wait3A_52] : memref<10000x128xf32, #tpu.memory_space<hbm>> -> memref<80x128xf32, #tpu.memory_space<hbm>>
      tpu.wait_dma2 semaphore(%arg14 : memref<!tpu.dma_semaphore, #tpu.memory_space<semaphore_mem>>) src(%dma_wait3A_53 : memref<80x128xf32, #tpu.memory_space<hbm>>) dst(%arg12 : memref<80x128xf32, #tpu.memory_space<vmem>>)
      %add3A_54 = arith.constant 2 : i32
      %add3A_55 = arith.addi %add3A_47, %add3A_54 : i32
      %sub3A_56 = arith.constant 1 : i32
      %sub3A_57 = arith.subi %add3A_55, %sub3A_56 : i32
      %lt3A_58 = arith.constant 124 : i32
      %lt3A_59 = arith.cmpi slt, %sub3A_57, %lt3A_58 : i32
      %convert_element_type3A_60 = arith.extui %lt3A_59 : i1 to i32
      %cond3A_61 = arith.constant 0 : i32
      %cond3A_62 = arith.cmpi ne, %convert_element_type3A_60, %cond3A_61 : i32
      scf.if %cond3A_62 {
        %mul3A_63 = arith.constant 80 : i32
        %mul3A_64 = arith.muli %sub3A_57, %mul3A_63 : i32
        %dma_start3A_65 = tpu.memref_slice %arg9[%mul3A_64] : memref<10000xi32, #tpu.memory_space<vmem>> -> memref<80xi32, #tpu.memory_space<vmem>>
        %dma_start3A_66 = arith.constant 0 : i32
        %dma_start3A_67 = arith.constant 0 : i32
        %dma_start3A_68 = tpu.memref_slice %arg2[%dma_start3A_66, %dma_start3A_67] : memref<10000x128xf32, #tpu.memory_space<hbm>> -> memref<10000x128xf32, #tpu.memory_space<hbm>>
        tpu.enqueue_indirect_dma source(%dma_start3A_68 : memref<10000x128xf32, #tpu.memory_space<hbm>>) target(%arg11 : memref<80x128xf32, #tpu.memory_space<vmem>>) offsets(%dma_start3A_65 : memref<80xi32, #tpu.memory_space<vmem>>) semaphore(%arg13 : memref<!tpu.dma_semaphore, #tpu.memory_space<semaphore_mem>>)
      } else {
      }
    }
    %scan3A_14 = arith.constant 62 : i32
    %barrier3A_15 = arith.constant 0 : index
    tpu.barrier barrier_id(%barrier3A_15)
    %eq3A = arith.constant 0 : i32
    %eq3A_16 = arith.cmpi eq, %arg0, %eq3A : i32
    %convert_element_type3A = arith.extui %eq3A_16 : i1 to i32
    %cond3A = arith.constant 0 : i32
    %cond3A_17 = arith.cmpi ne, %convert_element_type3A, %cond3A : i32
    scf.if %cond3A_17 {
      "tpu.region"() ({
        %run_scoped3A = tpu.sem_alloc : memref<!tpu.dma_semaphore, #tpu.memory_space<semaphore_mem>>
        %dma_start3A_23 = arith.constant 0 : i32
        %dma_start3A_24 = tpu.memref_slice %arg6[%mul3A_2, %dma_start3A_23] : memref<10240x128xf32, #tpu.memory_space<hbm>> -> memref<640x128xf32, #tpu.memory_space<hbm>>
        %dma_start3A_25 = arith.constant 0 : i32
        %dma_start3A_26 = tpu.memref_slice %arg8[%mul3A_2, %dma_start3A_25] : memref<10240x128xf32, #tpu.memory_space<vmem_shared>> -> memref<640x128xf32, #tpu.memory_space<vmem_shared>>
        tpu.enqueue_dma source(%dma_start3A_26 : memref<640x128xf32, #tpu.memory_space<vmem_shared>>) target(%dma_start3A_24 : memref<640x128xf32, #tpu.memory_space<hbm>>) target_semaphore(%run_scoped3A : memref<!tpu.dma_semaphore, #tpu.memory_space<semaphore_mem>>)
        %dma_wait3A = arith.constant 0 : i32
        %dma_wait3A_27 = tpu.memref_slice %arg6[%mul3A_2, %dma_wait3A] : memref<10240x128xf32, #tpu.memory_space<hbm>> -> memref<640x128xf32, #tpu.memory_space<hbm>>
        %dma_wait3A_28 = arith.constant 0 : i32
        %dma_wait3A_29 = tpu.memref_slice %arg8[%mul3A_2, %dma_wait3A_28] : memref<10240x128xf32, #tpu.memory_space<vmem_shared>> -> memref<640x128xf32, #tpu.memory_space<vmem_shared>>
        tpu.wait_dma2 semaphore(%run_scoped3A : memref<!tpu.dma_semaphore, #tpu.memory_space<semaphore_mem>>) src(%dma_wait3A_29 : memref<640x128xf32, #tpu.memory_space<vmem_shared>>) dst(%dma_wait3A_27 : memref<640x128xf32, #tpu.memory_space<hbm>>)
        tpu.yield
      }) : () -> ()
    } else {
    }
    %eq3A_18 = arith.constant 1 : i32
    %eq3A_19 = arith.cmpi eq, %arg0, %eq3A_18 : i32
    %convert_element_type3A_20 = arith.extui %eq3A_19 : i1 to i32
    %cond3A_21 = arith.constant 0 : i32
    %cond3A_22 = arith.cmpi ne, %convert_element_type3A_20, %cond3A_21 : i32
    scf.if %cond3A_22 {
      "tpu.region"() ({
        %run_scoped3A = tpu.sem_alloc : memref<!tpu.dma_semaphore, #tpu.memory_space<semaphore_mem>>
        %dma_start3A_23 = arith.constant 0 : i32
        %dma_start3A_24 = tpu.memref_slice %arg7[%mul3A_2, %dma_start3A_23] : memref<10240x128xf32, #tpu.memory_space<hbm>> -> memref<640x128xf32, #tpu.memory_space<hbm>>
        %dma_start3A_25 = arith.constant 0 : i32
        %dma_start3A_26 = tpu.memref_slice %arg8[%mul3A_2, %dma_start3A_25] : memref<10240x128xf32, #tpu.memory_space<vmem_shared>> -> memref<640x128xf32, #tpu.memory_space<vmem_shared>>
        tpu.enqueue_dma source(%dma_start3A_26 : memref<640x128xf32, #tpu.memory_space<vmem_shared>>) target(%dma_start3A_24 : memref<640x128xf32, #tpu.memory_space<hbm>>) target_semaphore(%run_scoped3A : memref<!tpu.dma_semaphore, #tpu.memory_space<semaphore_mem>>)
        %dma_wait3A = arith.constant 0 : i32
        %dma_wait3A_27 = tpu.memref_slice %arg7[%mul3A_2, %dma_wait3A] : memref<10240x128xf32, #tpu.memory_space<hbm>> -> memref<640x128xf32, #tpu.memory_space<hbm>>
        %dma_wait3A_28 = arith.constant 0 : i32
        %dma_wait3A_29 = tpu.memref_slice %arg8[%mul3A_2, %dma_wait3A_28] : memref<10240x128xf32, #tpu.memory_space<vmem_shared>> -> memref<640x128xf32, #tpu.memory_space<vmem_shared>>
        tpu.wait_dma2 semaphore(%run_scoped3A : memref<!tpu.dma_semaphore, #tpu.memory_space<semaphore_mem>>) src(%dma_wait3A_29 : memref<640x128xf32, #tpu.memory_space<vmem_shared>>) dst(%dma_wait3A_27 : memref<640x128xf32, #tpu.memory_space<hbm>>)
        tpu.yield
      }) : () -> ()
    } else {
    }
    return
  }
}

#map = affine_map<(d0, d1) -> (0, 0)>
#map1 = affine_map<(d0, d1) -> (0)>
module attributes {stable_mosaic.version = 14 : i64} {
  func.func @_scatter_body(%arg0: i32, %arg1: i32, %arg2: memref<10000x128xf32, #tpu.memory_space<hbm>>, %arg3: memref<320000xi32, #tpu.memory_space<hbm>>, %arg4: memref<320000xi32, #tpu.memory_space<hbm>>, %arg5: memref<640x128xf32, #tpu.memory_space<hbm>>, %arg6: memref<10240x128xf32, #tpu.memory_space<hbm>>, %arg7: memref<10240x128xf32, #tpu.memory_space<hbm>>, %arg8: memref<10240x128xf32, #tpu.memory_space<vmem_shared>>, %arg9: memref<10000xi32, #tpu.memory_space<vmem>>, %arg10: memref<10000xi32, #tpu.memory_space<vmem>>, %arg11: memref<80x128xf32, #tpu.memory_space<vmem>>, %arg12: memref<80x128xf32, #tpu.memory_space<vmem>>, %arg13: memref<!tpu.dma_semaphore, #tpu.memory_space<semaphore_mem>>, %arg14: memref<!tpu.dma_semaphore, #tpu.memory_space<semaphore_mem>>, %arg15: memref<!tpu.dma_semaphore, #tpu.memory_space<semaphore_mem>>, %arg16: memref<!tpu.dma_semaphore, #tpu.memory_space<semaphore_mem>>) attributes {dimension_semantics = [#tpu.dimension_semantics<core_parallel>, #tpu.dimension_semantics<subcore_parallel>], iteration_bounds = array<i64: 2, 16>, scalar_prefetch = 0 : i64, scratch_operands = 9 : i64, tpu.core_type = #tpu.core_type<sc_vector_subcore>, window_params = [{transform_indices = #map}, {transform_indices = #map1}, {transform_indices = #map1}, {transform_indices = #map}, {transform_indices = #map}, {transform_indices = #map}]} {
    %mul3A = arith.constant 16 : i32
    %mul3A_0 = arith.muli %arg0, %mul3A : i32
    %add3A = arith.addi %mul3A_0, %arg1 : i32
    %mul3A_1 = arith.constant 640 : i32
    %mul3A_2 = arith.muli %arg1, %mul3A_1 : i32
    "tpu.region"() ({
      %run_scoped3A = tpu.sem_alloc : memref<!tpu.dma_semaphore, #tpu.memory_space<semaphore_mem>>
      %dma_start3A_23 = arith.constant 0 : i32
      %dma_start3A_24 = tpu.memref_slice %arg8[%mul3A_2, %dma_start3A_23] : memref<10240x128xf32, #tpu.memory_space<vmem_shared>> -> memref<640x128xf32, #tpu.memory_space<vmem_shared>>
      tpu.enqueue_dma source(%arg5 : memref<640x128xf32, #tpu.memory_space<hbm>>) target(%dma_start3A_24 : memref<640x128xf32, #tpu.memory_space<vmem_shared>>) target_semaphore(%run_scoped3A : memref<!tpu.dma_semaphore, #tpu.memory_space<semaphore_mem>>)
      %dma_wait3A = arith.constant 0 : i32
      %dma_wait3A_25 = tpu.memref_slice %arg8[%mul3A_2, %dma_wait3A] : memref<10240x128xf32, #tpu.memory_space<vmem_shared>> -> memref<640x128xf32, #tpu.memory_space<vmem_shared>>
      tpu.wait_dma2 semaphore(%run_scoped3A : memref<!tpu.dma_semaphore, #tpu.memory_space<semaphore_mem>>) src(%arg5 : memref<640x128xf32, #tpu.memory_space<hbm>>) dst(%dma_wait3A_25 : memref<640x128xf32, #tpu.memory_space<vmem_shared>>)
      tpu.yield
    }) : () -> ()
    %mul3A_3 = arith.constant 10000 : i32
    %mul3A_4 = arith.muli %add3A, %mul3A_3 : i32
    "tpu.region"() ({
      %run_scoped3A = tpu.sem_alloc : memref<!tpu.dma_semaphore, #tpu.memory_space<semaphore_mem>>
      %dma_start3A_23 = tpu.memref_slice %arg3[%mul3A_4] : memref<320000xi32, #tpu.memory_space<hbm>> -> memref<10000xi32, #tpu.memory_space<hbm>>
      %dma_start3A_24 = tpu.memref_slice %arg3[%mul3A_4] : memref<320000xi32, #tpu.memory_space<hbm>> -> memref<10000xi32, #tpu.memory_space<hbm>>
      tpu.enqueue_dma source(%dma_start3A_24 : memref<10000xi32, #tpu.memory_space<hbm>>) target(%arg9 : memref<10000xi32, #tpu.memory_space<vmem>>) target_semaphore(%run_scoped3A : memref<!tpu.dma_semaphore, #tpu.memory_space<semaphore_mem>>)
      %dma_wait3A = tpu.memref_slice %arg3[%mul3A_4] : memref<320000xi32, #tpu.memory_space<hbm>> -> memref<10000xi32, #tpu.memory_space<hbm>>
      %dma_wait3A_25 = tpu.memref_slice %arg3[%mul3A_4] : memref<320000xi32, #tpu.memory_space<hbm>> -> memref<10000xi32, #tpu.memory_space<hbm>>
      tpu.wait_dma2 semaphore(%run_scoped3A : memref<!tpu.dma_semaphore, #tpu.memory_space<semaphore_mem>>) src(%dma_wait3A_25 : memref<10000xi32, #tpu.memory_space<hbm>>) dst(%arg9 : memref<10000xi32, #tpu.memory_space<vmem>>)
      tpu.yield
    }) : () -> ()
    %mul3A_5 = arith.constant 10000 : i32
    %mul3A_6 = arith.muli %add3A, %mul3A_5 : i32
    "tpu.region"() ({
      %run_scoped3A = tpu.sem_alloc : memref<!tpu.dma_semaphore, #tpu.memory_space<semaphore_mem>>
      %dma_start3A_23 = tpu.memref_slice %arg4[%mul3A_6] : memref<320000xi32, #tpu.memory_space<hbm>> -> memref<10000xi32, #tpu.memory_space<hbm>>
      %dma_start3A_24 = tpu.memref_slice %arg4[%mul3A_6] : memref<320000xi32, #tpu.memory_space<hbm>> -> memref<10000xi32, #tpu.memory_space<hbm>>
      tpu.enqueue_dma source(%dma_start3A_24 : memref<10000xi32, #tpu.memory_space<hbm>>) target(%arg10 : memref<10000xi32, #tpu.memory_space<vmem>>) target_semaphore(%run_scoped3A : memref<!tpu.dma_semaphore, #tpu.memory_space<semaphore_mem>>)
      %dma_wait3A = tpu.memref_slice %arg4[%mul3A_6] : memref<320000xi32, #tpu.memory_space<hbm>> -> memref<10000xi32, #tpu.memory_space<hbm>>
      %dma_wait3A_25 = tpu.memref_slice %arg4[%mul3A_6] : memref<320000xi32, #tpu.memory_space<hbm>> -> memref<10000xi32, #tpu.memory_space<hbm>>
      tpu.wait_dma2 semaphore(%run_scoped3A : memref<!tpu.dma_semaphore, #tpu.memory_space<semaphore_mem>>) src(%dma_wait3A_25 : memref<10000xi32, #tpu.memory_space<hbm>>) dst(%arg10 : memref<10000xi32, #tpu.memory_space<vmem>>)
      tpu.yield
    }) : () -> ()
    %dma_start3A = arith.constant 0 : i32
    %dma_start3A_7 = tpu.memref_slice %arg9[%dma_start3A] : memref<10000xi32, #tpu.memory_space<vmem>> -> memref<80xi32, #tpu.memory_space<vmem>>
    %dma_start3A_8 = arith.constant 0 : i32
    %dma_start3A_9 = arith.constant 0 : i32
    %dma_start3A_10 = tpu.memref_slice %arg2[%dma_start3A_8, %dma_start3A_9] : memref<10000x128xf32, #tpu.memory_space<hbm>> -> memref<10000x128xf32, #tpu.memory_space<hbm>>
    tpu.enqueue_indirect_dma source(%dma_start3A_10 : memref<10000x128xf32, #tpu.memory_space<hbm>>) target(%arg11 : memref<80x128xf32, #tpu.memory_space<vmem>>) offsets(%dma_start3A_7 : memref<80xi32, #tpu.memory_space<vmem>>) semaphore(%arg13 : memref<!tpu.dma_semaphore, #tpu.memory_space<semaphore_mem>>)
    %barrier3A = arith.constant 0 : index
    tpu.barrier barrier_id(%barrier3A)
    %scan3A = arith.constant 0 : i32
    %scan3A_11 = arith.constant 62 : i32
    %scan3A_12 = arith.addi %scan3A, %scan3A_11 : i32
    %scan3A_13 = arith.constant 1 : i32
    scf.for %scan3A_23 = %scan3A to %scan3A_12 step %scan3A_13  : i32 {
      %mul3A_24 = arith.constant 1 : i32
      %mul3A_25 = arith.muli %scan3A_23, %mul3A_24 : i32
      %add3A_26 = arith.constant 0 : i32
      %add3A_27 = arith.addi %add3A_26, %mul3A_25 : i32
      %mul3A_28 = arith.constant 2 : i32
      %mul3A_29 = arith.muli %add3A_27, %mul3A_28 : i32
      %add3A_30 = arith.constant 0 : i32
      %add3A_31 = arith.addi %mul3A_29, %add3A_30 : i32
      %dma_wait3A = arith.constant 0 : i32
      %dma_wait3A_32 = arith.constant 0 : i32
      %dma_wait3A_33 = tpu.memref_slice %arg2[%dma_wait3A, %dma_wait3A_32] : memref<10000x128xf32, #tpu.memory_space<hbm>> -> memref<80x128xf32, #tpu.memory_space<hbm>>
      %dma_wait3A_34 = arith.constant 0 : i32
      %dma_wait3A_35 = arith.constant 0 : i32
      %dma_wait3A_36 = tpu.memref_slice %arg2[%dma_wait3A_34, %dma_wait3A_35] : memref<10000x128xf32, #tpu.memory_space<hbm>> -> memref<80x128xf32, #tpu.memory_space<hbm>>
      tpu.wait_dma2 semaphore(%arg13 : memref<!tpu.dma_semaphore, #tpu.memory_space<semaphore_mem>>) src(%dma_wait3A_36 : memref<80x128xf32, #tpu.memory_space<hbm>>) dst(%arg11 : memref<80x128xf32, #tpu.memory_space<vmem>>)
      %add3A_37 = arith.constant 2 : i32
      %add3A_38 = arith.addi %add3A_31, %add3A_37 : i32
      %sub3A = arith.constant 1 : i32
      %sub3A_39 = arith.subi %add3A_38, %sub3A : i32
      %lt3A = arith.constant 124 : i32
      %lt3A_40 = arith.cmpi slt, %sub3A_39, %lt3A : i32
      %convert_element_type3A_41 = arith.extui %lt3A_40 : i1 to i32
      %cond3A_42 = arith.constant 0 : i32
      %cond3A_43 = arith.cmpi ne, %convert_element_type3A_41, %cond3A_42 : i32
      scf.if %cond3A_43 {
        %mul3A_63 = arith.constant 80 : i32
        %mul3A_64 = arith.muli %sub3A_39, %mul3A_63 : i32
        %dma_start3A_65 = tpu.memref_slice %arg9[%mul3A_64] : memref<10000xi32, #tpu.memory_space<vmem>> -> memref<80xi32, #tpu.memory_space<vmem>>
        %dma_start3A_66 = arith.constant 0 : i32
        %dma_start3A_67 = arith.constant 0 : i32
        %dma_start3A_68 = tpu.memref_slice %arg2[%dma_start3A_66, %dma_start3A_67] : memref<10000x128xf32, #tpu.memory_space<hbm>> -> memref<10000x128xf32, #tpu.memory_space<hbm>>
        tpu.enqueue_indirect_dma source(%dma_start3A_68 : memref<10000x128xf32, #tpu.memory_space<hbm>>) target(%arg12 : memref<80x128xf32, #tpu.memory_space<vmem>>) offsets(%dma_start3A_65 : memref<80xi32, #tpu.memory_space<vmem>>) semaphore(%arg14 : memref<!tpu.dma_semaphore, #tpu.memory_space<semaphore_mem>>)
      } else {
      }
      %mul3A_44 = arith.constant 2 : i32
      %mul3A_45 = arith.muli %add3A_27, %mul3A_44 : i32
      %add3A_46 = arith.constant 1 : i32
      %add3A_47 = arith.addi %mul3A_45, %add3A_46 : i32
      %dma_wait3A_48 = arith.constant 0 : i32
      %dma_wait3A_49 = arith.constant 0 : i32
      %dma_wait3A_50 = tpu.memref_slice %arg2[%dma_wait3A_48, %dma_wait3A_49] : memref<10000x128xf32, #tpu.memory_space<hbm>> -> memref<80x128xf32, #tpu.memory_space<hbm>>
      %dma_wait3A_51 = arith.constant 0 : i32
      %dma_wait3A_52 = arith.constant 0 : i32
      %dma_wait3A_53 = tpu.memref_slice %arg2[%dma_wait3A_51, %dma_wait3A_52] : memref<10000x128xf32, #tpu.memory_space<hbm>> -> memref<80x128xf32, #tpu.memory_space<hbm>>
      tpu.wait_dma2 semaphore(%arg14 : memref<!tpu.dma_semaphore, #tpu.memory_space<semaphore_mem>>) src(%dma_wait3A_53 : memref<80x128xf32, #tpu.memory_space<hbm>>) dst(%arg12 : memref<80x128xf32, #tpu.memory_space<vmem>>)
      %add3A_54 = arith.constant 2 : i32
      %add3A_55 = arith.addi %add3A_47, %add3A_54 : i32
      %sub3A_56 = arith.constant 1 : i32
      %sub3A_57 = arith.subi %add3A_55, %sub3A_56 : i32
      %lt3A_58 = arith.constant 124 : i32
      %lt3A_59 = arith.cmpi slt, %sub3A_57, %lt3A_58 : i32
      %convert_element_type3A_60 = arith.extui %lt3A_59 : i1 to i32
      %cond3A_61 = arith.constant 0 : i32
      %cond3A_62 = arith.cmpi ne, %convert_element_type3A_60, %cond3A_61 : i32
      scf.if %cond3A_62 {
        %mul3A_63 = arith.constant 80 : i32
        %mul3A_64 = arith.muli %sub3A_57, %mul3A_63 : i32
        %dma_start3A_65 = tpu.memref_slice %arg9[%mul3A_64] : memref<10000xi32, #tpu.memory_space<vmem>> -> memref<80xi32, #tpu.memory_space<vmem>>
        %dma_start3A_66 = arith.constant 0 : i32
        %dma_start3A_67 = arith.constant 0 : i32
        %dma_start3A_68 = tpu.memref_slice %arg2[%dma_start3A_66, %dma_start3A_67] : memref<10000x128xf32, #tpu.memory_space<hbm>> -> memref<10000x128xf32, #tpu.memory_space<hbm>>
        tpu.enqueue_indirect_dma source(%dma_start3A_68 : memref<10000x128xf32, #tpu.memory_space<hbm>>) target(%arg11 : memref<80x128xf32, #tpu.memory_space<vmem>>) offsets(%dma_start3A_65 : memref<80xi32, #tpu.memory_space<vmem>>) semaphore(%arg13 : memref<!tpu.dma_semaphore, #tpu.memory_space<semaphore_mem>>)
      } else {
      }
    }
    %scan3A_14 = arith.constant 62 : i32
    %barrier3A_15 = arith.constant 0 : index
    tpu.barrier barrier_id(%barrier3A_15)
    %eq3A = arith.constant 0 : i32
    %eq3A_16 = arith.cmpi eq, %arg0, %eq3A : i32
    %convert_element_type3A = arith.extui %eq3A_16 : i1 to i32
    %cond3A = arith.constant 0 : i32
    %cond3A_17 = arith.cmpi ne, %convert_element_type3A, %cond3A : i32
    scf.if %cond3A_17 {
      "tpu.region"() ({
        %run_scoped3A = tpu.sem_alloc : memref<!tpu.dma_semaphore, #tpu.memory_space<semaphore_mem>>
        %dma_start3A_23 = arith.constant 0 : i32
        %dma_start3A_24 = tpu.memref_slice %arg6[%mul3A_2, %dma_start3A_23] : memref<10240x128xf32, #tpu.memory_space<hbm>> -> memref<640x128xf32, #tpu.memory_space<hbm>>
        %dma_start3A_25 = arith.constant 0 : i32
        %dma_start3A_26 = tpu.memref_slice %arg8[%mul3A_2, %dma_start3A_25] : memref<10240x128xf32, #tpu.memory_space<vmem_shared>> -> memref<640x128xf32, #tpu.memory_space<vmem_shared>>
        tpu.enqueue_dma source(%dma_start3A_26 : memref<640x128xf32, #tpu.memory_space<vmem_shared>>) target(%dma_start3A_24 : memref<640x128xf32, #tpu.memory_space<hbm>>) target_semaphore(%run_scoped3A : memref<!tpu.dma_semaphore, #tpu.memory_space<semaphore_mem>>)
        %dma_wait3A = arith.constant 0 : i32
        %dma_wait3A_27 = tpu.memref_slice %arg6[%mul3A_2, %dma_wait3A] : memref<10240x128xf32, #tpu.memory_space<hbm>> -> memref<640x128xf32, #tpu.memory_space<hbm>>
        %dma_wait3A_28 = arith.constant 0 : i32
        %dma_wait3A_29 = tpu.memref_slice %arg8[%mul3A_2, %dma_wait3A_28] : memref<10240x128xf32, #tpu.memory_space<vmem_shared>> -> memref<640x128xf32, #tpu.memory_space<vmem_shared>>
        tpu.wait_dma2 semaphore(%run_scoped3A : memref<!tpu.dma_semaphore, #tpu.memory_space<semaphore_mem>>) src(%dma_wait3A_29 : memref<640x128xf32, #tpu.memory_space<vmem_shared>>) dst(%dma_wait3A_27 : memref<640x128xf32, #tpu.memory_space<hbm>>)
        tpu.yield
      }) : () -> ()
    } else {
    }
    %eq3A_18 = arith.constant 1 : i32
    %eq3A_19 = arith.cmpi eq, %arg0, %eq3A_18 : i32
    %convert_element_type3A_20 = arith.extui %eq3A_19 : i1 to i32
    %cond3A_21 = arith.constant 0 : i32
    %cond3A_22 = arith.cmpi ne, %convert_element_type3A_20, %cond3A_21 : i32
    scf.if %cond3A_22 {
      "tpu.region"() ({
        %run_scoped3A = tpu.sem_alloc : memref<!tpu.dma_semaphore, #tpu.memory_space<semaphore_mem>>
        %dma_start3A_23 = arith.constant 0 : i32
        %dma_start3A_24 = tpu.memref_slice %arg7[%mul3A_2, %dma_start3A_23] : memref<10240x128xf32, #tpu.memory_space<hbm>> -> memref<640x128xf32, #tpu.memory_space<hbm>>
        %dma_start3A_25 = arith.constant 0 : i32
        %dma_start3A_26 = tpu.memref_slice %arg8[%mul3A_2, %dma_start3A_25] : memref<10240x128xf32, #tpu.memory_space<vmem_shared>> -> memref<640x128xf32, #tpu.memory_space<vmem_shared>>
        tpu.enqueue_dma source(%dma_start3A_26 : memref<640x128xf32, #tpu.memory_space<vmem_shared>>) target(%dma_start3A_24 : memref<640x128xf32, #tpu.memory_space<hbm>>) target_semaphore(%run_scoped3A : memref<!tpu.dma_semaphore, #tpu.memory_space<semaphore_mem>>)
        %dma_wait3A = arith.constant 0 : i32
        %dma_wait3A_27 = tpu.memref_slice %arg7[%mul3A_2, %dma_wait3A] : memref<10240x128xf32, #tpu.memory_space<hbm>> -> memref<640x128xf32, #tpu.memory_space<hbm>>
        %dma_wait3A_28 = arith.constant 0 : i32
        %dma_wait3A_29 = tpu.memref_slice %arg8[%mul3A_2, %dma_wait3A_28] : memref<10240x128xf32, #tpu.memory_space<vmem_shared>> -> memref<640x128xf32, #tpu.memory_space<vmem_shared>>
        tpu.wait_dma2 semaphore(%run_scoped3A : memref<!tpu.dma_semaphore, #tpu.memory_space<semaphore_mem>>) src(%dma_wait3A_29 : memref<640x128xf32, #tpu.memory_space<vmem_shared>>) dst(%dma_wait3A_27 : memref<640x128xf32, #tpu.memory_space<hbm>>)
        tpu.yield
      }) : () -> ()
    } else {
    }
    return
  }
}

#map = affine_map<(d0, d1) -> (0, 0)>
#map1 = affine_map<(d0, d1) -> (0)>
module attributes {stable_mosaic.version = 14 : i64} {
  func.func @_scatter_body(%arg0: i32, %arg1: i32, %arg2: memref<10000x128xf32, #tpu.memory_space<hbm>>, %arg3: memref<320000xi32, #tpu.memory_space<hbm>>, %arg4: memref<320000xi32, #tpu.memory_space<hbm>>, %arg5: memref<640x128xf32, #tpu.memory_space<hbm>>, %arg6: memref<10240x128xf32, #tpu.memory_space<hbm>>, %arg7: memref<10240x128xf32, #tpu.memory_space<hbm>>, %arg8: memref<10240x128xf32, #tpu.memory_space<vmem_shared>>, %arg9: memref<10000xi32, #tpu.memory_space<vmem>>, %arg10: memref<10000xi32, #tpu.memory_space<vmem>>, %arg11: memref<80x128xf32, #tpu.memory_space<vmem>>, %arg12: memref<80x128xf32, #tpu.memory_space<vmem>>, %arg13: memref<!tpu.dma_semaphore, #tpu.memory_space<semaphore_mem>>, %arg14: memref<!tpu.dma_semaphore, #tpu.memory_space<semaphore_mem>>, %arg15: memref<!tpu.dma_semaphore, #tpu.memory_space<semaphore_mem>>, %arg16: memref<!tpu.dma_semaphore, #tpu.memory_space<semaphore_mem>>) attributes {dimension_semantics = [#tpu.dimension_semantics<core_parallel>, #tpu.dimension_semantics<subcore_parallel>], iteration_bounds = array<i64: 2, 16>, scalar_prefetch = 0 : i64, scratch_operands = 9 : i64, tpu.core_type = #tpu.core_type<sc_vector_subcore>, window_params = [{transform_indices = #map}, {transform_indices = #map1}, {transform_indices = #map1}, {transform_indices = #map}, {transform_indices = #map}, {transform_indices = #map}]} {
    %mul3A = arith.constant 16 : i32
    %mul3A_0 = arith.muli %arg0, %mul3A : i32
    %add3A = arith.addi %mul3A_0, %arg1 : i32
    %mul3A_1 = arith.constant 640 : i32
    %mul3A_2 = arith.muli %arg1, %mul3A_1 : i32
    "tpu.region"() ({
      %run_scoped3A = tpu.sem_alloc : memref<!tpu.dma_semaphore, #tpu.memory_space<semaphore_mem>>
      %dma_start3A_23 = arith.constant 0 : i32
      %dma_start3A_24 = tpu.memref_slice %arg8[%mul3A_2, %dma_start3A_23] : memref<10240x128xf32, #tpu.memory_space<vmem_shared>> -> memref<640x128xf32, #tpu.memory_space<vmem_shared>>
      tpu.enqueue_dma source(%arg5 : memref<640x128xf32, #tpu.memory_space<hbm>>) target(%dma_start3A_24 : memref<640x128xf32, #tpu.memory_space<vmem_shared>>) target_semaphore(%run_scoped3A : memref<!tpu.dma_semaphore, #tpu.memory_space<semaphore_mem>>)
      %dma_wait3A = arith.constant 0 : i32
      %dma_wait3A_25 = tpu.memref_slice %arg8[%mul3A_2, %dma_wait3A] : memref<10240x128xf32, #tpu.memory_space<vmem_shared>> -> memref<640x128xf32, #tpu.memory_space<vmem_shared>>
      tpu.wait_dma2 semaphore(%run_scoped3A : memref<!tpu.dma_semaphore, #tpu.memory_space<semaphore_mem>>) src(%arg5 : memref<640x128xf32, #tpu.memory_space<hbm>>) dst(%dma_wait3A_25 : memref<640x128xf32, #tpu.memory_space<vmem_shared>>)
      tpu.yield
    }) : () -> ()
    %mul3A_3 = arith.constant 10000 : i32
    %mul3A_4 = arith.muli %add3A, %mul3A_3 : i32
    "tpu.region"() ({
      %run_scoped3A = tpu.sem_alloc : memref<!tpu.dma_semaphore, #tpu.memory_space<semaphore_mem>>
      %dma_start3A_23 = tpu.memref_slice %arg3[%mul3A_4] : memref<320000xi32, #tpu.memory_space<hbm>> -> memref<10000xi32, #tpu.memory_space<hbm>>
      %dma_start3A_24 = tpu.memref_slice %arg3[%mul3A_4] : memref<320000xi32, #tpu.memory_space<hbm>> -> memref<10000xi32, #tpu.memory_space<hbm>>
      tpu.enqueue_dma source(%dma_start3A_24 : memref<10000xi32, #tpu.memory_space<hbm>>) target(%arg9 : memref<10000xi32, #tpu.memory_space<vmem>>) target_semaphore(%run_scoped3A : memref<!tpu.dma_semaphore, #tpu.memory_space<semaphore_mem>>)
      %dma_wait3A = tpu.memref_slice %arg3[%mul3A_4] : memref<320000xi32, #tpu.memory_space<hbm>> -> memref<10000xi32, #tpu.memory_space<hbm>>
      %dma_wait3A_25 = tpu.memref_slice %arg3[%mul3A_4] : memref<320000xi32, #tpu.memory_space<hbm>> -> memref<10000xi32, #tpu.memory_space<hbm>>
      tpu.wait_dma2 semaphore(%run_scoped3A : memref<!tpu.dma_semaphore, #tpu.memory_space<semaphore_mem>>) src(%dma_wait3A_25 : memref<10000xi32, #tpu.memory_space<hbm>>) dst(%arg9 : memref<10000xi32, #tpu.memory_space<vmem>>)
      tpu.yield
    }) : () -> ()
    %mul3A_5 = arith.constant 10000 : i32
    %mul3A_6 = arith.muli %add3A, %mul3A_5 : i32
    "tpu.region"() ({
      %run_scoped3A = tpu.sem_alloc : memref<!tpu.dma_semaphore, #tpu.memory_space<semaphore_mem>>
      %dma_start3A_23 = tpu.memref_slice %arg4[%mul3A_6] : memref<320000xi32, #tpu.memory_space<hbm>> -> memref<10000xi32, #tpu.memory_space<hbm>>
      %dma_start3A_24 = tpu.memref_slice %arg4[%mul3A_6] : memref<320000xi32, #tpu.memory_space<hbm>> -> memref<10000xi32, #tpu.memory_space<hbm>>
      tpu.enqueue_dma source(%dma_start3A_24 : memref<10000xi32, #tpu.memory_space<hbm>>) target(%arg10 : memref<10000xi32, #tpu.memory_space<vmem>>) target_semaphore(%run_scoped3A : memref<!tpu.dma_semaphore, #tpu.memory_space<semaphore_mem>>)
      %dma_wait3A = tpu.memref_slice %arg4[%mul3A_6] : memref<320000xi32, #tpu.memory_space<hbm>> -> memref<10000xi32, #tpu.memory_space<hbm>>
      %dma_wait3A_25 = tpu.memref_slice %arg4[%mul3A_6] : memref<320000xi32, #tpu.memory_space<hbm>> -> memref<10000xi32, #tpu.memory_space<hbm>>
      tpu.wait_dma2 semaphore(%run_scoped3A : memref<!tpu.dma_semaphore, #tpu.memory_space<semaphore_mem>>) src(%dma_wait3A_25 : memref<10000xi32, #tpu.memory_space<hbm>>) dst(%arg10 : memref<10000xi32, #tpu.memory_space<vmem>>)
      tpu.yield
    }) : () -> ()
    %dma_start3A = arith.constant 0 : i32
    %dma_start3A_7 = tpu.memref_slice %arg9[%dma_start3A] : memref<10000xi32, #tpu.memory_space<vmem>> -> memref<80xi32, #tpu.memory_space<vmem>>
    %dma_start3A_8 = arith.constant 0 : i32
    %dma_start3A_9 = arith.constant 0 : i32
    %dma_start3A_10 = tpu.memref_slice %arg2[%dma_start3A_8, %dma_start3A_9] : memref<10000x128xf32, #tpu.memory_space<hbm>> -> memref<10000x128xf32, #tpu.memory_space<hbm>>
    tpu.enqueue_indirect_dma source(%dma_start3A_10 : memref<10000x128xf32, #tpu.memory_space<hbm>>) target(%arg11 : memref<80x128xf32, #tpu.memory_space<vmem>>) offsets(%dma_start3A_7 : memref<80xi32, #tpu.memory_space<vmem>>) semaphore(%arg13 : memref<!tpu.dma_semaphore, #tpu.memory_space<semaphore_mem>>)
    %barrier3A = arith.constant 0 : index
    tpu.barrier barrier_id(%barrier3A)
    %scan3A = arith.constant 0 : i32
    %scan3A_11 = arith.constant 62 : i32
    %scan3A_12 = arith.addi %scan3A, %scan3A_11 : i32
    %scan3A_13 = arith.constant 1 : i32
    scf.for %scan3A_23 = %scan3A to %scan3A_12 step %scan3A_13  : i32 {
      %mul3A_24 = arith.constant 1 : i32
      %mul3A_25 = arith.muli %scan3A_23, %mul3A_24 : i32
      %add3A_26 = arith.constant 0 : i32
      %add3A_27 = arith.addi %add3A_26, %mul3A_25 : i32
      %mul3A_28 = arith.constant 2 : i32
      %mul3A_29 = arith.muli %add3A_27, %mul3A_28 : i32
      %add3A_30 = arith.constant 0 : i32
      %add3A_31 = arith.addi %mul3A_29, %add3A_30 : i32
      %dma_wait3A = arith.constant 0 : i32
      %dma_wait3A_32 = arith.constant 0 : i32
      %dma_wait3A_33 = tpu.memref_slice %arg2[%dma_wait3A, %dma_wait3A_32] : memref<10000x128xf32, #tpu.memory_space<hbm>> -> memref<80x128xf32, #tpu.memory_space<hbm>>
      %dma_wait3A_34 = arith.constant 0 : i32
      %dma_wait3A_35 = arith.constant 0 : i32
      %dma_wait3A_36 = tpu.memref_slice %arg2[%dma_wait3A_34, %dma_wait3A_35] : memref<10000x128xf32, #tpu.memory_space<hbm>> -> memref<80x128xf32, #tpu.memory_space<hbm>>
      tpu.wait_dma2 semaphore(%arg13 : memref<!tpu.dma_semaphore, #tpu.memory_space<semaphore_mem>>) src(%dma_wait3A_36 : memref<80x128xf32, #tpu.memory_space<hbm>>) dst(%arg11 : memref<80x128xf32, #tpu.memory_space<vmem>>)
      %add3A_37 = arith.constant 2 : i32
      %add3A_38 = arith.addi %add3A_31, %add3A_37 : i32
      %sub3A = arith.constant 1 : i32
      %sub3A_39 = arith.subi %add3A_38, %sub3A : i32
      %lt3A = arith.constant 124 : i32
      %lt3A_40 = arith.cmpi slt, %sub3A_39, %lt3A : i32
      %convert_element_type3A_41 = arith.extui %lt3A_40 : i1 to i32
      %cond3A_42 = arith.constant 0 : i32
      %cond3A_43 = arith.cmpi ne, %convert_element_type3A_41, %cond3A_42 : i32
      scf.if %cond3A_43 {
        %mul3A_63 = arith.constant 80 : i32
        %mul3A_64 = arith.muli %sub3A_39, %mul3A_63 : i32
        %dma_start3A_65 = tpu.memref_slice %arg9[%mul3A_64] : memref<10000xi32, #tpu.memory_space<vmem>> -> memref<80xi32, #tpu.memory_space<vmem>>
        %dma_start3A_66 = arith.constant 0 : i32
        %dma_start3A_67 = arith.constant 0 : i32
        %dma_start3A_68 = tpu.memref_slice %arg2[%dma_start3A_66, %dma_start3A_67] : memref<10000x128xf32, #tpu.memory_space<hbm>> -> memref<10000x128xf32, #tpu.memory_space<hbm>>
        tpu.enqueue_indirect_dma source(%dma_start3A_68 : memref<10000x128xf32, #tpu.memory_space<hbm>>) target(%arg12 : memref<80x128xf32, #tpu.memory_space<vmem>>) offsets(%dma_start3A_65 : memref<80xi32, #tpu.memory_space<vmem>>) semaphore(%arg14 : memref<!tpu.dma_semaphore, #tpu.memory_space<semaphore_mem>>)
      } else {
      }
      %mul3A_44 = arith.constant 2 : i32
      %mul3A_45 = arith.muli %add3A_27, %mul3A_44 : i32
      %add3A_46 = arith.constant 1 : i32
      %add3A_47 = arith.addi %mul3A_45, %add3A_46 : i32
      %dma_wait3A_48 = arith.constant 0 : i32
      %dma_wait3A_49 = arith.constant 0 : i32
      %dma_wait3A_50 = tpu.memref_slice %arg2[%dma_wait3A_48, %dma_wait3A_49] : memref<10000x128xf32, #tpu.memory_space<hbm>> -> memref<80x128xf32, #tpu.memory_space<hbm>>
      %dma_wait3A_51 = arith.constant 0 : i32
      %dma_wait3A_52 = arith.constant 0 : i32
      %dma_wait3A_53 = tpu.memref_slice %arg2[%dma_wait3A_51, %dma_wait3A_52] : memref<10000x128xf32, #tpu.memory_space<hbm>> -> memref<80x128xf32, #tpu.memory_space<hbm>>
      tpu.wait_dma2 semaphore(%arg14 : memref<!tpu.dma_semaphore, #tpu.memory_space<semaphore_mem>>) src(%dma_wait3A_53 : memref<80x128xf32, #tpu.memory_space<hbm>>) dst(%arg12 : memref<80x128xf32, #tpu.memory_space<vmem>>)
      %add3A_54 = arith.constant 2 : i32
      %add3A_55 = arith.addi %add3A_47, %add3A_54 : i32
      %sub3A_56 = arith.constant 1 : i32
      %sub3A_57 = arith.subi %add3A_55, %sub3A_56 : i32
      %lt3A_58 = arith.constant 124 : i32
      %lt3A_59 = arith.cmpi slt, %sub3A_57, %lt3A_58 : i32
      %convert_element_type3A_60 = arith.extui %lt3A_59 : i1 to i32
      %cond3A_61 = arith.constant 0 : i32
      %cond3A_62 = arith.cmpi ne, %convert_element_type3A_60, %cond3A_61 : i32
      scf.if %cond3A_62 {
        %mul3A_63 = arith.constant 80 : i32
        %mul3A_64 = arith.muli %sub3A_57, %mul3A_63 : i32
        %dma_start3A_65 = tpu.memref_slice %arg9[%mul3A_64] : memref<10000xi32, #tpu.memory_space<vmem>> -> memref<80xi32, #tpu.memory_space<vmem>>
        %dma_start3A_66 = arith.constant 0 : i32
        %dma_start3A_67 = arith.constant 0 : i32
        %dma_start3A_68 = tpu.memref_slice %arg2[%dma_start3A_66, %dma_start3A_67] : memref<10000x128xf32, #tpu.memory_space<hbm>> -> memref<10000x128xf32, #tpu.memory_space<hbm>>
        tpu.enqueue_indirect_dma source(%dma_start3A_68 : memref<10000x128xf32, #tpu.memory_space<hbm>>) target(%arg11 : memref<80x128xf32, #tpu.memory_space<vmem>>) offsets(%dma_start3A_65 : memref<80xi32, #tpu.memory_space<vmem>>) semaphore(%arg13 : memref<!tpu.dma_semaphore, #tpu.memory_space<semaphore_mem>>)
      } else {
      }
    }
    %scan3A_14 = arith.constant 62 : i32
    %barrier3A_15 = arith.constant 0 : index
    tpu.barrier barrier_id(%barrier3A_15)
    %eq3A = arith.constant 0 : i32
    %eq3A_16 = arith.cmpi eq, %arg0, %eq3A : i32
    %convert_element_type3A = arith.extui %eq3A_16 : i1 to i32
    %cond3A = arith.constant 0 : i32
    %cond3A_17 = arith.cmpi ne, %convert_element_type3A, %cond3A : i32
    scf.if %cond3A_17 {
      "tpu.region"() ({
        %run_scoped3A = tpu.sem_alloc : memref<!tpu.dma_semaphore, #tpu.memory_space<semaphore_mem>>
        %dma_start3A_23 = arith.constant 0 : i32
        %dma_start3A_24 = tpu.memref_slice %arg6[%mul3A_2, %dma_start3A_23] : memref<10240x128xf32, #tpu.memory_space<hbm>> -> memref<640x128xf32, #tpu.memory_space<hbm>>
        %dma_start3A_25 = arith.constant 0 : i32
        %dma_start3A_26 = tpu.memref_slice %arg8[%mul3A_2, %dma_start3A_25] : memref<10240x128xf32, #tpu.memory_space<vmem_shared>> -> memref<640x128xf32, #tpu.memory_space<vmem_shared>>
        tpu.enqueue_dma source(%dma_start3A_26 : memref<640x128xf32, #tpu.memory_space<vmem_shared>>) target(%dma_start3A_24 : memref<640x128xf32, #tpu.memory_space<hbm>>) target_semaphore(%run_scoped3A : memref<!tpu.dma_semaphore, #tpu.memory_space<semaphore_mem>>)
        %dma_wait3A = arith.constant 0 : i32
        %dma_wait3A_27 = tpu.memref_slice %arg6[%mul3A_2, %dma_wait3A] : memref<10240x128xf32, #tpu.memory_space<hbm>> -> memref<640x128xf32, #tpu.memory_space<hbm>>
        %dma_wait3A_28 = arith.constant 0 : i32
        %dma_wait3A_29 = tpu.memref_slice %arg8[%mul3A_2, %dma_wait3A_28] : memref<10240x128xf32, #tpu.memory_space<vmem_shared>> -> memref<640x128xf32, #tpu.memory_space<vmem_shared>>
        tpu.wait_dma2 semaphore(%run_scoped3A : memref<!tpu.dma_semaphore, #tpu.memory_space<semaphore_mem>>) src(%dma_wait3A_29 : memref<640x128xf32, #tpu.memory_space<vmem_shared>>) dst(%dma_wait3A_27 : memref<640x128xf32, #tpu.memory_space<hbm>>)
        tpu.yield
      }) : () -> ()
    } else {
    }
    %eq3A_18 = arith.constant 1 : i32
    %eq3A_19 = arith.cmpi eq, %arg0, %eq3A_18 : i32
    %convert_element_type3A_20 = arith.extui %eq3A_19 : i1 to i32
    %cond3A_21 = arith.constant 0 : i32
    %cond3A_22 = arith.cmpi ne, %convert_element_type3A_20, %cond3A_21 : i32
    scf.if %cond3A_22 {
      "tpu.region"() ({
        %run_scoped3A = tpu.sem_alloc : memref<!tpu.dma_semaphore, #tpu.memory_space<semaphore_mem>>
        %dma_start3A_23 = arith.constant 0 : i32
        %dma_start3A_24 = tpu.memref_slice %arg7[%mul3A_2, %dma_start3A_23] : memref<10240x128xf32, #tpu.memory_space<hbm>> -> memref<640x128xf32, #tpu.memory_space<hbm>>
        %dma_start3A_25 = arith.constant 0 : i32
        %dma_start3A_26 = tpu.memref_slice %arg8[%mul3A_2, %dma_start3A_25] : memref<10240x128xf32, #tpu.memory_space<vmem_shared>> -> memref<640x128xf32, #tpu.memory_space<vmem_shared>>
        tpu.enqueue_dma source(%dma_start3A_26 : memref<640x128xf32, #tpu.memory_space<vmem_shared>>) target(%dma_start3A_24 : memref<640x128xf32, #tpu.memory_space<hbm>>) target_semaphore(%run_scoped3A : memref<!tpu.dma_semaphore, #tpu.memory_space<semaphore_mem>>)
        %dma_wait3A = arith.constant 0 : i32
        %dma_wait3A_27 = tpu.memref_slice %arg7[%mul3A_2, %dma_wait3A] : memref<10240x128xf32, #tpu.memory_space<hbm>> -> memref<640x128xf32, #tpu.memory_space<hbm>>
        %dma_wait3A_28 = arith.constant 0 : i32
        %dma_wait3A_29 = tpu.memref_slice %arg8[%mul3A_2, %dma_wait3A_28] : memref<10240x128xf32, #tpu.memory_space<vmem_shared>> -> memref<640x128xf32, #tpu.memory_space<vmem_shared>>
        tpu.wait_dma2 semaphore(%run_scoped3A : memref<!tpu.dma_semaphore, #tpu.memory_space<semaphore_mem>>) src(%dma_wait3A_29 : memref<640x128xf32, #tpu.memory_space<vmem_shared>>) dst(%dma_wait3A_27 : memref<640x128xf32, #tpu.memory_space<hbm>>)
        tpu.yield
      }) : () -> ()
    } else {
    }
    return
  }
}

module attributes {stable_mosaic.version = 14 : i64} {
  func.func @_layer_tc(%arg0: i32, %arg1: memref<1000x128xf32, #tpu.memory_space<vmem>>, %arg2: memref<1000x128xf32, #tpu.memory_space<vmem>>, %arg3: memref<128x128xf32, #tpu.memory_space<vmem>>, %arg4: memref<1x128xf32, #tpu.memory_space<vmem>>, %arg5: memref<1000x128xf32, #tpu.memory_space<vmem>>) attributes {dimension_semantics = [#tpu.dimension_semantics<arbitrary>], iteration_bounds = array<i64: 10>, scalar_prefetch = 0 : i64, scratch_operands = 0 : i64, tpu.core_type = #tpu.core_type<tc>, window_params = [{transform_indices = @transform_0, window_bounds = array<i64: 1000, 128>}, {transform_indices = @transform_1, window_bounds = array<i64: 1000, 128>}, {pipeline_mode = #tpu.pipeline_mode<synchronous>, transform_indices = @transform_2, window_bounds = array<i64: 128, 128>}, {pipeline_mode = #tpu.pipeline_mode<synchronous>, transform_indices = @transform_3, window_bounds = array<i64: 1, 128>}, {transform_indices = @transform_4, window_bounds = array<i64: 1000, 128>}]} {
    %get3A = arith.constant 0 : index
    %get3A_0 = arith.constant 0 : index
    %get3A_1 = vector.load %arg1[%get3A, %get3A_0] : memref<1000x128xf32, #tpu.memory_space<vmem>>, vector<1000x128xf32>
    %get3A_2 = arith.constant 0 : index
    %get3A_3 = arith.constant 0 : index
    %get3A_4 = vector.load %arg2[%get3A_2, %get3A_3] : memref<1000x128xf32, #tpu.memory_space<vmem>>, vector<1000x128xf32>
    %add3A = arith.addf %get3A_1, %get3A_4 : vector<1000x128xf32>
    %get3A_5 = arith.constant 0 : index
    %get3A_6 = arith.constant 0 : index
    %get3A_7 = vector.load %arg3[%get3A_5, %get3A_6] : memref<128x128xf32, #tpu.memory_space<vmem>>, vector<128x128xf32>
    %dot_general3A = arith.constant dense<0.000000e+00> : vector<1000x128xf32>
    %dot_general3A_8 = tpu.matmul %add3A, %get3A_7, %dot_general3A {dimension_numbers = #tpu.dot_dimension_numbers<[1], [0], [0], [1], [0, 0, 1, 1], [], []>, transpose_lhs_hint = false} : vector<1000x128xf32>, vector<128x128xf32>, vector<1000x128xf32> -> vector<1000x128xf32>
    %get3A_9 = arith.constant 0 : index
    %get3A_10 = arith.constant 0 : index
    %get3A_11 = vector.load %arg4[%get3A_9, %get3A_10] : memref<1x128xf32, #tpu.memory_space<vmem>>, vector<1x128xf32>
    %add3A_12 = vector.broadcast %get3A_11 : vector<1x128xf32> to vector<1000x128xf32>
    %add3A_13 = arith.addf %dot_general3A_8, %add3A_12 : vector<1000x128xf32>
    %gt3A = arith.constant 0.000000e+00 : f32
    %gt3A_14 = vector.broadcast %gt3A : f32 to vector<1000x128xf32>
    %gt3A_15 = arith.cmpf ogt, %add3A_13, %gt3A_14 : vector<1000x128xf32>
    %mul3A = arith.constant 1.000000e-01 : f32
    %mul3A_16 = vector.broadcast %mul3A : f32 to vector<1000x128xf32>
    %mul3A_17 = arith.mulf %mul3A_16, %add3A_13 : vector<1000x128xf32>
    %select_n3A = arith.select %gt3A_15, %add3A_13, %mul3A_17 : vector<1000x128xi1>, vector<1000x128xf32>
    %swap3A = arith.constant 0 : index
    %swap3A_18 = arith.constant 0 : index
    %swap3A_19 = vector.load %arg5[%swap3A, %swap3A_18] : memref<1000x128xf32, #tpu.memory_space<vmem>>, vector<1000x128xf32>
    tpu.vector_store %arg5[%swap3A, %swap3A_18], %select_n3A {strides = array<i32>} : memref<1000x128xf32, #tpu.memory_space<vmem>>, vector<1000x128xf32>,
    return
  }
  func.func @transform_0(%arg0: i32) -> (i32, i32) {
    %c0_i32 = arith.constant 0 : i32
    %c0_i32_0 = arith.constant 0 : i32
    return %arg0, %c0_i32 : i32, i32
  }
  func.func @transform_1(%arg0: i32) -> (i32, i32) {
    %c0_i32 = arith.constant 0 : i32
    %c0_i32_0 = arith.constant 0 : i32
    return %arg0, %c0_i32 : i32, i32
  }
  func.func @transform_2(%arg0: i32) -> (i32, i32) {
    %c0_i32 = arith.constant 0 : i32
    %c0_i32_0 = arith.constant 0 : i32
    %c0_i32_1 = arith.constant 0 : i32
    return %c0_i32, %c0_i32_0 : i32, i32
  }
  func.func @transform_3(%arg0: i32) -> (i32, i32) {
    %c0_i32 = arith.constant 0 : i32
    %c0_i32_0 = arith.constant 0 : i32
    %c0_i32_1 = arith.constant 0 : i32
    return %c0_i32, %c0_i32_0 : i32, i32
  }
  func.func @transform_4(%arg0: i32) -> (i32, i32) {
    %c0_i32 = arith.constant 0 : i32
    %c0_i32_0 = arith.constant 0 : i32
    return %arg0, %c0_i32 : i32, i32
  }
}

module attributes {stable_mosaic.version = 14 : i64} {
  func.func @_final_tc(%arg0: i32, %arg1: memref<1000x128xf32, #tpu.memory_space<vmem>>, %arg2: memref<1000x128xf32, #tpu.memory_space<vmem>>, %arg3: memref<128x128xf32, #tpu.memory_space<vmem>>, %arg4: memref<1x128xf32, #tpu.memory_space<vmem>>, %arg5: memref<1000x128xf32, #tpu.memory_space<vmem>>, %arg6: memref<1000x128xf32, #tpu.memory_space<vmem>>, %arg7: memref<1000x128xf32, #tpu.memory_space<vmem>>, %arg8: memref<4x128x128xf32, #tpu.memory_space<vmem>>, %arg9: memref<1x128xf32, #tpu.memory_space<vmem>>, %arg10: memref<1000x128xf32, #tpu.memory_space<vmem>>) attributes {dimension_semantics = [#tpu.dimension_semantics<arbitrary>], iteration_bounds = array<i64: 10>, scalar_prefetch = 0 : i64, scratch_operands = 0 : i64, tpu.core_type = #tpu.core_type<tc>, window_params = [{transform_indices = @transform_0, window_bounds = array<i64: 1000, 128>}, {transform_indices = @transform_1, window_bounds = array<i64: 1000, 128>}, {pipeline_mode = #tpu.pipeline_mode<synchronous>, transform_indices = @transform_2, window_bounds = array<i64: 128, 128>}, {pipeline_mode = #tpu.pipeline_mode<synchronous>, transform_indices = @transform_3, window_bounds = array<i64: 1, 128>}, {transform_indices = @transform_4, window_bounds = array<i64: 1000, 128>}, {transform_indices = @transform_5, window_bounds = array<i64: 1000, 128>}, {transform_indices = @transform_6, window_bounds = array<i64: 1000, 128>}, {pipeline_mode = #tpu.pipeline_mode<synchronous>, transform_indices = @transform_7, window_bounds = array<i64: 4, 128, 128>}, {pipeline_mode = #tpu.pipeline_mode<synchronous>, transform_indices = @transform_8, window_bounds = array<i64: 1, 128>}, {transform_indices = @transform_9, window_bounds = array<i64: 1000, 128>}]} {
    %get3A = arith.constant 0 : index
    %get3A_0 = arith.constant 0 : index
    %get3A_1 = vector.load %arg1[%get3A, %get3A_0] : memref<1000x128xf32, #tpu.memory_space<vmem>>, vector<1000x128xf32>
    %get3A_2 = arith.constant 0 : index
    %get3A_3 = arith.constant 0 : index
    %get3A_4 = vector.load %arg2[%get3A_2, %get3A_3] : memref<1000x128xf32, #tpu.memory_space<vmem>>, vector<1000x128xf32>
    %add3A = arith.addf %get3A_1, %get3A_4 : vector<1000x128xf32>
    %get3A_5 = arith.constant 0 : index
    %get3A_6 = arith.constant 0 : index
    %get3A_7 = vector.load %arg3[%get3A_5, %get3A_6] : memref<128x128xf32, #tpu.memory_space<vmem>>, vector<128x128xf32>
    %dot_general3A = arith.constant dense<0.000000e+00> : vector<1000x128xf32>
    %dot_general3A_8 = tpu.matmul %add3A, %get3A_7, %dot_general3A {dimension_numbers = #tpu.dot_dimension_numbers<[1], [0], [0], [1], [0, 0, 1, 1], [], []>, transpose_lhs_hint = false} : vector<1000x128xf32>, vector<128x128xf32>, vector<1000x128xf32> -> vector<1000x128xf32>
    %get3A_9 = arith.constant 0 : index
    %get3A_10 = arith.constant 0 : index
    %get3A_11 = vector.load %arg4[%get3A_9, %get3A_10] : memref<1x128xf32, #tpu.memory_space<vmem>>, vector<1x128xf32>
    %add3A_12 = vector.broadcast %get3A_11 : vector<1x128xf32> to vector<1000x128xf32>
    %add3A_13 = arith.addf %dot_general3A_8, %add3A_12 : vector<1000x128xf32>
    %gt3A = arith.constant 0.000000e+00 : f32
    %gt3A_14 = vector.broadcast %gt3A : f32 to vector<1000x128xf32>
    %gt3A_15 = arith.cmpf ogt, %add3A_13, %gt3A_14 : vector<1000x128xf32>
    %mul3A = arith.constant 1.000000e-01 : f32
    %mul3A_16 = vector.broadcast %mul3A : f32 to vector<1000x128xf32>
    %mul3A_17 = arith.mulf %mul3A_16, %add3A_13 : vector<1000x128xf32>
    %select_n3A = arith.select %gt3A_15, %add3A_13, %mul3A_17 : vector<1000x128xi1>, vector<1000x128xf32>
    %get3A_18 = arith.constant 0 : index
    %get3A_19 = arith.constant 0 : index
    %get3A_20 = vector.load %arg5[%get3A_18, %get3A_19] : memref<1000x128xf32, #tpu.memory_space<vmem>>, vector<1000x128xf32>
    %get3A_21 = arith.constant 0 : index
    %get3A_22 = arith.constant 0 : index
    %get3A_23 = arith.constant 0 : index
    %get3A_24 = vector.load %arg8[%get3A_21, %get3A_22, %get3A_23] : memref<4x128x128xf32, #tpu.memory_space<vmem>>, vector<1x128x128xf32>
    %get3A_25 = vector.shape_cast %get3A_24 : vector<1x128x128xf32> to vector<128x128xf32>
    %dot_general3A_26 = arith.constant dense<0.000000e+00> : vector<1000x128xf32>
    %dot_general3A_27 = tpu.matmul %get3A_20, %get3A_25, %dot_general3A_26 {dimension_numbers = #tpu.dot_dimension_numbers<[1], [0], [0], [1], [0, 0, 1, 1], [], []>, transpose_lhs_hint = false} : vector<1000x128xf32>, vector<128x128xf32>, vector<1000x128xf32> -> vector<1000x128xf32>
    %get3A_28 = arith.constant 0 : index
    %get3A_29 = arith.constant 0 : index
    %get3A_30 = vector.load %arg6[%get3A_28, %get3A_29] : memref<1000x128xf32, #tpu.memory_space<vmem>>, vector<1000x128xf32>
    %get3A_31 = arith.constant 1 : index
    %get3A_32 = arith.constant 0 : index
    %get3A_33 = arith.constant 0 : index
    %get3A_34 = vector.load %arg8[%get3A_31, %get3A_32, %get3A_33] : memref<4x128x128xf32, #tpu.memory_space<vmem>>, vector<1x128x128xf32>
    %get3A_35 = vector.shape_cast %get3A_34 : vector<1x128x128xf32> to vector<128x128xf32>
    %dot_general3A_36 = arith.constant dense<0.000000e+00> : vector<1000x128xf32>
    %dot_general3A_37 = tpu.matmul %get3A_30, %get3A_35, %dot_general3A_36 {dimension_numbers = #tpu.dot_dimension_numbers<[1], [0], [0], [1], [0, 0, 1, 1], [], []>, transpose_lhs_hint = false} : vector<1000x128xf32>, vector<128x128xf32>, vector<1000x128xf32> -> vector<1000x128xf32>
    %add3A_38 = arith.addf %dot_general3A_27, %dot_general3A_37 : vector<1000x128xf32>
    %get3A_39 = arith.constant 0 : index
    %get3A_40 = arith.constant 0 : index
    %get3A_41 = vector.load %arg7[%get3A_39, %get3A_40] : memref<1000x128xf32, #tpu.memory_space<vmem>>, vector<1000x128xf32>
    %get3A_42 = arith.constant 2 : index
    %get3A_43 = arith.constant 0 : index
    %get3A_44 = arith.constant 0 : index
    %get3A_45 = vector.load %arg8[%get3A_42, %get3A_43, %get3A_44] : memref<4x128x128xf32, #tpu.memory_space<vmem>>, vector<1x128x128xf32>
    %get3A_46 = vector.shape_cast %get3A_45 : vector<1x128x128xf32> to vector<128x128xf32>
    %dot_general3A_47 = arith.constant dense<0.000000e+00> : vector<1000x128xf32>
    %dot_general3A_48 = tpu.matmul %get3A_41, %get3A_46, %dot_general3A_47 {dimension_numbers = #tpu.dot_dimension_numbers<[1], [0], [0], [1], [0, 0, 1, 1], [], []>, transpose_lhs_hint = false} : vector<1000x128xf32>, vector<128x128xf32>, vector<1000x128xf32> -> vector<1000x128xf32>
    %add3A_49 = arith.addf %add3A_38, %dot_general3A_48 : vector<1000x128xf32>
    %get3A_50 = arith.constant 3 : index
    %get3A_51 = arith.constant 0 : index
    %get3A_52 = arith.constant 0 : index
    %get3A_53 = vector.load %arg8[%get3A_50, %get3A_51, %get3A_52] : memref<4x128x128xf32, #tpu.memory_space<vmem>>, vector<1x128x128xf32>
    %get3A_54 = vector.shape_cast %get3A_53 : vector<1x128x128xf32> to vector<128x128xf32>
    %dot_general3A_55 = arith.constant dense<0.000000e+00> : vector<1000x128xf32>
    %dot_general3A_56 = tpu.matmul %select_n3A, %get3A_54, %dot_general3A_55 {dimension_numbers = #tpu.dot_dimension_numbers<[1], [0], [0], [1], [0, 0, 1, 1], [], []>, transpose_lhs_hint = false} : vector<1000x128xf32>, vector<128x128xf32>, vector<1000x128xf32> -> vector<1000x128xf32>
    %add3A_57 = arith.addf %add3A_49, %dot_general3A_56 : vector<1000x128xf32>
    %get3A_58 = arith.constant 0 : index
    %get3A_59 = arith.constant 0 : index
    %get3A_60 = vector.load %arg9[%get3A_58, %get3A_59] : memref<1x128xf32, #tpu.memory_space<vmem>>, vector<1x128xf32>
    %add3A_61 = vector.broadcast %get3A_60 : vector<1x128xf32> to vector<1000x128xf32>
    %add3A_62 = arith.addf %add3A_57, %add3A_61 : vector<1000x128xf32>
    %gt3A_63 = arith.constant 0.000000e+00 : f32
    %gt3A_64 = vector.broadcast %gt3A_63 : f32 to vector<1000x128xf32>
    %gt3A_65 = arith.cmpf ogt, %add3A_62, %gt3A_64 : vector<1000x128xf32>
    %mul3A_66 = arith.constant 1.000000e-01 : f32
    %mul3A_67 = vector.broadcast %mul3A_66 : f32 to vector<1000x128xf32>
    %mul3A_68 = arith.mulf %mul3A_67, %add3A_62 : vector<1000x128xf32>
    %select_n3A_69 = arith.select %gt3A_65, %add3A_62, %mul3A_68 : vector<1000x128xi1>, vector<1000x128xf32>
    %swap3A = arith.constant 0 : index
    %swap3A_70 = arith.constant 0 : index
    %swap3A_71 = vector.load %arg10[%swap3A, %swap3A_70] : memref<1000x128xf32, #tpu.memory_space<vmem>>, vector<1000x128xf32>
    tpu.vector_store %arg10[%swap3A, %swap3A_70], %select_n3A_69 {strides = array<i32>} : memref<1000x128xf32, #tpu.memory_space<vmem>>, vector<1000x128xf32>,
    return
  }
  func.func @transform_0(%arg0: i32) -> (i32, i32) {
    %c0_i32 = arith.constant 0 : i32
    %c0_i32_0 = arith.constant 0 : i32
    return %arg0, %c0_i32 : i32, i32
  }
  func.func @transform_1(%arg0: i32) -> (i32, i32) {
    %c0_i32 = arith.constant 0 : i32
    %c0_i32_0 = arith.constant 0 : i32
    return %arg0, %c0_i32 : i32, i32
  }
  func.func @transform_2(%arg0: i32) -> (i32, i32) {
    %c0_i32 = arith.constant 0 : i32
    %c0_i32_0 = arith.constant 0 : i32
    %c0_i32_1 = arith.constant 0 : i32
    return %c0_i32, %c0_i32_0 : i32, i32
  }
  func.func @transform_3(%arg0: i32) -> (i32, i32) {
    %c0_i32 = arith.constant 0 : i32
    %c0_i32_0 = arith.constant 0 : i32
    %c0_i32_1 = arith.constant 0 : i32
    return %c0_i32, %c0_i32_0 : i32, i32
  }
  func.func @transform_4(%arg0: i32) -> (i32, i32) {
    %c0_i32 = arith.constant 0 : i32
    %c0_i32_0 = arith.constant 0 : i32
    return %arg0, %c0_i32 : i32, i32
  }
  func.func @transform_5(%arg0: i32) -> (i32, i32) {
    %c0_i32 = arith.constant 0 : i32
    %c0_i32_0 = arith.constant 0 : i32
    return %arg0, %c0_i32 : i32, i32
  }
  func.func @transform_6(%arg0: i32) -> (i32, i32) {
    %c0_i32 = arith.constant 0 : i32
    %c0_i32_0 = arith.constant 0 : i32
    return %arg0, %c0_i32 : i32, i32
  }
  func.func @transform_7(%arg0: i32) -> (i32, i32, i32) {
    %c0_i32 = arith.constant 0 : i32
    %c0_i32_0 = arith.constant 0 : i32
    %c0_i32_1 = arith.constant 0 : i32
    %c0_i32_2 = arith.constant 0 : i32
    return %c0_i32, %c0_i32_0, %c0_i32_1 : i32, i32, i32
  }
  func.func @transform_8(%arg0: i32) -> (i32, i32) {
    %c0_i32 = arith.constant 0 : i32
    %c0_i32_0 = arith.constant 0 : i32
    %c0_i32_1 = arith.constant 0 : i32
    return %c0_i32, %c0_i32_0 : i32, i32
  }
  func.func @transform_9(%arg0: i32) -> (i32, i32) {
    %c0_i32 = arith.constant 0 : i32
    %c0_i32_0 = arith.constant 0 : i32
    return %arg0, %c0_i32 : i32, i32
  }
}

</mosaic_0001>

<sc_bundles>
// kernel: kernel.11.cloned.1.call-start
scs
__scs_entry_jumppad:
0x0: {  	(pc) =	sbr.rel $0x88, $3  }
0x1: {  	(tag) =	ssettag $0x0;
	lr =	simm.s32 $0x1  }
0x2: {  	[smem:$0x3F97] =	sst lr;
	_ =	strace $0xD0000000  }
0x3: {  	_ = 	snop  }
0x4: {  	_ = 	snop  }
0x5: {  	_ = 	snop  }
0x6: {  	_ = 	snop  }
0x7: {  	_ = 	snop  }
__scs_overlays_trampoline_lowered:
0x8: {  	[smem:$0x3FA6] =	sst s0  }
0x9: {  	[smem:$0x3FA7] =	sst s1  }
0xa: {  	[smem:$0x3FA8] =	sst s2  }
0xb: {  	[smem:$0x3FA9] =	sst s3  }
0xc: {  	[smem:$0x3FAA] =	sst s4  }
0xd: {  	[smem:$0x3FAB] =	sst s5  }
0xe: {  	[smem:$0x3FAC] =	sst s6  }
0xf: {  	[smem:$0x3FAD] =	sst s7  }
0x10: {  	[smem:$0x3FAE] =	sst s8  }
0x11: {  	[smem:$0x3FAF] =	sst s9;
	s0 =	simm.s32 @!p0 $0x0  }
0x12: {  	s1 =	sld [smem:$0x3F95];
	s0 =	simm.s32 @p0 $0x1  }
0x13: {  	[smem:$0x3FB0] =	sst s0;
	s0 =	simm.s32 @!p1 $0x0  }
0x14: {  	s2 =	sld [smem:$0x3F94];
	s0 =	simm.s32 @p1 $0x1  }
0x15: {  	[smem:$0x3FB1] =	sst s0;
	s0 =	simm.s32 @!p2 $0x0  }
0x16: {  	s3 =	sld [smem:$0x3FDB];
	s0 =	simm.s32 @p2 $0x1  }
0x17: {  	s4 =	simm.s32 $0x1BF5;
	[smem:$0x3FB3] =	sst s0  }
0x18: {  	s0 =	sld [smem:$0x3F96];
	_ =	swait.ge [sflag:s4], $0x0  }
0x19: {  	s7 =	sld [smem:$0x3F97]  }
0x1a: {  	s8 =	sadd.s32 $0xFFFFE003, lr  }
0x1b: {  	s9 =	sadd.s32 $0xFFFFFEF7, lr;
	s5 =	simm.s32 $0xFFFFFFFF;
	p2 =	slt.u32 s8, $0xFFFFF086  }
0x1c: {  	p1 =	slt.u32 s9, $0xF7A;
	s5 =	simm.s32 @!p2 $0x0  }
0x1d: {  	s5 =	simm.s32 @p1 $0x1;
	p0 =	seq.s32 s7, s2  }
0x1e: {  	s7 =	smul.u32 @!p0 $0xF7A, s2;
	p2 =	seq.s32 @!p0 s5, $0x0  }
0x1f: {  	s9 =	smul.u32 $0xF7A, s1;
	s8 =	simm.s32 @!p0 $0x1BF5;
	p2 =	por !p2, p0  }
0x20: {  	[sflag:s8] =	ssyncset.s32 @!p0 $0xFFFFF086;
	s6 =	sadd.s32 @!p0 s3, s7;
	s7 =	simm.s32 @!p0 $0x108  }
0x21: {  	s3 =	sadd.s32 s3, s9;
	s6 =	sadd.s32 @!p0 $0x88, s6;
	s7 =	simm.s32 @p2 $0x1082  }
0x22: {  	[simem:s7], [sflag:s8] =	dma.local @!p0 [hbm:s6], $0xF7A  }
0x23: {  	s9 =	sor.u32 $0xD0000000, s2;
	s6 =	simm.s32 $0x108;
	_ =	swait.ge @!p0 [sflag:s8], $0x0  }
0x24: {  	s3 =	sadd.s32 $0x88, s3;
	s6 =	simm.s32 @!p1 $0x1082;
	[sflag:s4] =	ssyncset.s32 $0xFFFFF086  }
0x25: {  	[simem:s6], [sflag:s4] =	dma.local [hbm:s3], $0xF7A  }
0x26: {  	[smem:$0x3F97] =	sst s1;
	(tag) =	ssettag s2;
	_ =	strace s9  }
0x27: {  	s1 =	sld [smem:$0x3FA7]  }
0x28: {  	s2 =	sld [smem:$0x3FA8]  }
0x29: {  	s4 =	sld [smem:$0x3FAA]  }
0x2a: {  	p0 =	seq.s32 s5, $0x0;
	s5 =	sld [smem:$0x3FAB]  }
0x2b: {  	s6 =	sld [smem:$0x3FAC]  }
0x2c: {  	s7 =	sld [smem:$0x3FAD]  }
0x2d: {  	s3 =	simm.s32 $0x108;
	s8 =	sld [smem:$0x3FAE]  }
0x2e: {  	s3 =	simm.s32 @!p0 $0x1082;
	s9 =	sld [smem:$0x3FAF]  }
0x2f: {  	lr =	sadd.s32 s0, s3;
	s0 =	sld [smem:$0x3FA6]  }
0x30: {  	s3 =	sld [smem:$0x3FA9]  }
0x31: {  	[smem:$0x3FB2] =	sst s10  }
0x32: {  	s10 =	sld [smem:$0x3FB0];
	_ =	sdelay $0x3  }
0x33: {  	p0 =	seq.s32 s10, $0x1;
	s10 =	sld [smem:$0x3FB2];
	_ =	sdelay $0x3  }
0x34: {  	[smem:$0x3FB2] =	sst s10  }
0x35: {  	s10 =	sld [smem:$0x3FB1];
	_ =	sdelay $0x3  }
0x36: {  	p1 =	seq.s32 s10, $0x1;
	s10 =	sld [smem:$0x3FB2];
	_ =	sdelay $0x3  }
0x37: {  	[smem:$0x3FB2] =	sst s10  }
0x38: {  	s10 =	sld [smem:$0x3FB3]  }
0x39: {  	_ = 	snop;
	(pc) =	sbr.ind lr, $3  }
0x3a: {  	_ = 	snop  }
0x3b: {  	_ = 	snop  }
0x3c: {  	p2 =	seq.s32 s10, $0x1;
	s10 =	sld [smem:$0x3FB2]  }
0x3d: {  	_ =	shalt  }
0x3e: {  	_ =	shalt  }
0x3f: {  	_ =	shalt  }
0x40: {  	_ =	shalt  }
0x41: {  	_ =	shalt  }
0x42: {  	_ =	shalt  }
0x43: {  	_ =	shalt  }
0x44: {  	_ =	shalt  }
0x45: {  	_ =	shalt  }
0x46: {  	_ =	shalt  }
0x47: {  	_ =	shalt  }
0x48: {  	_ =	shalt  }
0x49: {  	_ =	shalt  }
0x4a: {  	_ =	shalt  }
0x4b: {  	_ =	shalt  }
0x4c: {  	_ =	shalt  }
0x4d: {  	_ =	shalt  }
0x4e: {  	_ =	shalt  }
0x4f: {  	_ =	shalt  }
0x50: {  	_ =	shalt  }
0x51: {  	_ =	shalt  }
0x52: {  	_ =	shalt  }
0x53: {  	_ =	shalt  }
0x54: {  	_ =	shalt  }
0x55: {  	_ =	shalt  }
0x56: {  	_ =	shalt  }
0x57: {  	_ =	shalt  }
0x58: {  	_ =	shalt  }
0x59: {  	_ =	shalt  }
0x5a: {  	_ =	shalt  }
0x5b: {  	_ =	shalt  }
0x5c: {  	_ =	shalt  }
0x5d: {  	_ =	shalt  }
0x5e: {  	_ =	shalt  }
0x5f: {  	_ =	shalt  }
0x60: {  	_ =	shalt  }
0x61: {  	_ =	shalt  }
0x62: {  	_ =	shalt  }
0x63: {  	_ =	shalt  }
0x64: {  	_ =	shalt  }
0x65: {  	_ =	shalt  }
0x66: {  	_ =	shalt  }
0x67: {  	_ =	shalt  }
0x68: {  	_ =	shalt  }
0x69: {  	_ =	shalt  }
0x6a: {  	_ =	shalt  }
0x6b: {  	_ =	shalt  }
0x6c: {  	_ =	shalt  }
0x6d: {  	_ =	shalt  }
0x6e: {  	_ =	shalt  }
0x6f: {  	_ =	shalt  }
0x70: {  	_ =	shalt  }
0x71: {  	_ =	shalt  }
0x72: {  	_ =	shalt  }
0x73: {  	_ =	shalt  }
0x74: {  	_ =	shalt  }
0x75: {  	_ =	shalt  }
0x76: {  	_ =	shalt  }
0x77: {  	_ =	shalt  }
0x78: {  	_ =	shalt  }
0x79: {  	_ =	shalt  }
0x7a: {  	_ =	shalt  }
0x7b: {  	_ =	shalt  }
0x7c: {  	_ =	shalt  }
0x7d: {  	_ =	shalt  }
0x7e: {  	_ =	shalt  }
0x7f: {  	_ =	shalt  }
0x80: {  	_ =	shalt  }
0x81: {  	_ =	shalt  }
0x82: {  	_ =	shalt  }
0x83: {  	_ =	shalt  }
0x84: {  	_ =	shalt  }
0x85: {  	_ =	shalt  }
0x86: {  	_ =	shalt  }
0x87: {  	_ =	shalt  }
.Lfunc_end0:
.L_simem_size_0:
called_computation.1_lowered:
.L_overlay_start_0:
0x88: {  	s2 =	sld [smem:$0x3FD9]  }
0x89: {  	s3 =	sld [smem:$0x3FFE];
	_ =	sdelay $0x1  }
0x8a: {  	s1 =	srdreg.scid  }
0x8b: {  	s0 =	sand.u32 $0x1, s1  }
0x8c: {  	s17 =	sshll.u32 s0, $0xA;
	s2 =	sadd.s32 s3, s2  }
0x8d: {  	s2 =	sadd.s32 s2, s17  }
0x8e: {  	[smem:$0x3FBE] =	sst s2  }
0x8f: {  	_ = 	snop  }
0x90: {  	s2 =	sld [smem:$0x3FD0];
	(tm) =	ssettm $0x1  }
0x91: {  	s18 =	sld [smem:$0x3FFB];
	_ =	sdelay $0x3  }
0x92: {  	_ =	strace s18  }
0x93: {  	s3 =	sld [smem:$0x3FFC];
	_ =	sdelay $0x3  }
0x94: {  	_ =	strace s3  }
0x95: {  	s3 =	sld [smem:$0x3FFD];
	_ =	sdelay $0x3  }
0x96: {  	_ =	strace s3  }
0x97: {  	_ =	strace $0x8FFFFFFF  }
0x98: {  	s19 =	sld [smem:$0x3FDB];
	_ =	sdelay $0x1  }
0x99: {  	s4 =	simm.s32 $_scs_section_size  }
0x9a: {  	s5 =	simm.s32 $_size__tile_overlayer_lowered;
	s6 =	simm.s32 $_tile_overlayer_lowered  }
0x9b: {  	s22 =	simm.s32 $0x1BFF;
	s21 =	sshll.u32 s6, $0x1;
	s3 =	sadd.s32 s4, s19  }
0x9c: {  	s7 =	simm.s32 $0x0;
	s20 =	sshll.u32 s5, $0x1;
	s5 =	sadd.s32 s21, s3  }
0x9d: {  	[timem:s7], [sflag:s22] =	dma.local [hbm:s5], s20  }
0x9e: {  	_ =	swait.ge [sflag:s22], s20  }
0x9f: {  	s4 =	ssub.s32 $0x0, s20;
	[sflag:s22] =	ssyncset.done $0x0  }
0xa0: {  	[sflag:s22] =	ssyncadd.s32 s4;
	_ =	sdelay $0x1  }
0xa1: {  	s23 =	simm.s32 $0x1B8B  }
0xa2: {  	_ =	swait.ge [sflag:s23], $0x1  }
0xa3: {  	[sflag:s23] =	ssyncset.done $0x0  }
0xa4: {  	s25 =	simm.s32 $0x1B8E;
	s24 =	sld [smem:$0x3FFE];
	[sflag:s23] =	ssyncadd.s32 $0xFFFFFFFF  }
0xa5: {  	s26 =	simm.s32 $execute0_lowered;
	[smem:$0x3FD2] =	sst s25  }
0xa6: {  	s5 =	sshll.u32 s26, $0x1;
	_ =	strace $0x80000049;
	[dreg:$0x1] =	wrdreg $0xFFFFFFFF  }
0xa7: {  	s28 =	simm.s32 $_size_execute0_lowered;
	s3 =	sadd.s32 s3, s5;
	[dreg:$0x0] =	wrdreg $0x0  }
0xa8: {  	s5 =	sshll.u32 s28, $0x1;
	[dreg:$0x2] =	wrdreg s3  }
0xa9: {  	[dreg:$0x3] =	wrdreg s5  }
0xaa: {  	[dreg:$0x4] =	wrdreg $0xC0  }
0xab: {  	_ =	task [dreg:s7], $0x5FFFF  }
0xac: {  	[dreg:$0x1] =	wrdreg $0xFFFFFFFF  }
0xad: {  	[dreg:$0x0] =	wrdreg $0x60  }
0xae: {  	[dreg:$0x2] =	wrdreg s2  }
0xaf: {  	[dreg:$0x3] =	wrdreg s24  }
0xb0: {  	[dreg:$0x4] =	wrdreg $0x0  }
0xb1: {  	[dreg:$0x5] =	wrdreg $0x9  }
0xb2: {  	_ =	task.clear_ibuf [dreg:s7], $0x6FFFF;
	_ =	strace $0x90000049  }
0xb3: {  	s29 =	simm.s32 $0x9;
	_ =	strace $0x8000004B  }
0xb4: {  	_ =	swait.ge [sflag:s29], $0x1  }
0xb5: {  	[sflag:s29] =	ssyncadd.s32 $0xFFFFFFFF  }
0xb6: {  	_ =	strace $0x9000004B  }
0xb7: {  	_ =	sfence  }
0xb8: {  	s30 =	sld [smem:$0x0];
	_ =	sdelay $0x2  }
0xb9: {  	s31 =	sshll.u32 s1, $0xD;
	s1 =	sshrl.u32 s1, $0x2  }
0xba: {  	s3 =	sand.u32 $0x4000, s31;
	s1 =	sadd.s32 s1, s30  }
0xbb: {  	s0 =	sor.u32 s3, s0;
	s1 =	sshll.u32 s1, $0x11  }
0xbc: {  	s0 =	sor.u32 s1, s0  }
0xbd: {  	s0 =	sadd.s32 $0x8F2B, s0  }
0xbe: {  	[sflag:s0] =	ssyncadd.remote.s32 $0x1  }
0xbf: {  	_ =	sfence.sel $0xFFFF  }
0xc0: {  	[dreg:$0x0] =	wrdreg $0xFFFFFFFF;
	(pc) =	sbr.abs _section_cstart, $3  }
0xc1: {  	[dreg:$0x1] =	wrdreg $0xFFFFFFFF  }
0xc2: {  	_ =	task.clear_ibuf [dreg:s7], $0x2FFFF;
	_ =	strace $0x9FFFFFFF  }
0xc3: {  	(tm) =	ssettm $0x7FFFFFFF  }
tec
execute0_lowered:
.L_overlay_start_1:
0x0: {  	(tag) =	ssettag $0x1  }
0x1: {  	s1 =	rddreg [dreg:$0x0]  }
0x2: {  	s9 =	rddreg [dreg:$0x1]  }
0x3: {  	s0 =	srdreg.scid;
	s5 =	rddreg [dreg:$0x2]  }
0x4: {  	s3 =	simm.s32 $0x0;
	s12 =	simm.s32 $0x42400;
	s14 =	simm.s32 $0x50  }
0x5: {  	s15 =	simm.s32 $0x18F00;
	s16 =	simm.s32 $0x1;
	s17 =	simm.s32 $0x1B700  }
0x6: {  	s18 =	simm.s32 $0x2;
	s19 =	simm.s32 $0x16670;
	s20 =	simm.s32 $0x0  }
0x7: {  	s6 =	sand.u32 $0x1, s0;
	s0 =	stileid.u32;
	[smem:$0x7FF] =	sst s3  }
0x8: {  	s2 =	sshll.u32 s6, $0x4;
	s7 =	smul.u32 $0x50000, s0;
	s10 =	ssub.s32 $0x2, s6  }
0x9: {  	s31 =	sshll.u32 s0, $0x6;
	p0 =	seq.s32 s6, $0x1;
	s13 =	smul.u32 $0x2800, s0  }
0xa: {  	s4 =	sor.u32 s0, s2;
	s2 =	rddreg [dreg:$0x3];
	_ =	strace $0x8000004A  }
0xb: {  	s11 =	sshrl.u32 s10, $0x1;
	s12 =	simm.s32 @!p0 $0x1A400;
	s4 =	smul.u32 $0x4E2, s4  }
0xc: {  	s7 =	sshrl.u32 s7, $0x2;
	s10 =	ssub.s32 s10, s11;
	s11 =	simm.s32 $0x3  }
0xd: {  	s30 =	sadd.s32 s7, s5;
	s5 =	sor.u32 $0x1C03, s31;
	s8 =	sadd.s32 s4, s9  }
0xe: {  	s4 =	sadd.s32 $0x17C00, s9;
	s9 =	sadd.s32 s12, s9;
	s12 =	simm.s32 $0x14000  }
0xf: {  	s6 =	sadd.s32 $0xDE00, s8;
	s7 =	sadd.s32 $0x4000, s8;
	s8 =	smax.u32 s10, $0x1  }
0x10: {  	s9 =	sadd.s32 s9, s13;
	s10 =	sshrl.u32 s30, $0x3;
	s13 =	simm.s32 $0x16780  }
.LBB2_1:
0x11: {  	[spmem:s10], [sflag:s5] =	dma.local [hbm:s4], $0x2800  }
0x12: {  	_ =	swait.ge [sflag:s11], $0x2800  }
0x13: {  	[sflag:s11] =	ssyncset.done $0x0  }
0x14: {  	[sflag:s11] =	ssyncadd.s32 $0xFFFFD800  }
0x15: {  	[tilespmem:s12], [sflag:$0x3] =	stream.linear.gather [hbm4b:s6+s3], $0x2710, $0x38;
	[tilespmem:$0x1DF00] =	vst v63  }
0x16: {  	_ =	swait.ge [sflag:s11], $0x2710  }
0x17: {  	[sflag:s11] =	ssyncset.done $0x0  }
0x18: {  	[sflag:s11] =	ssyncadd.s32 $0xFFFFD8F0  }
0x19: {  	[tilespmem:s13], [sflag:$0x3] =	stream.linear.gather [hbm4b:s7+s3], $0x2710, $0x38;
	[tilespmem:$0x1DF00] =	vst v63  }
0x1a: {  	_ =	swait.ge [sflag:s11], $0x2710  }
0x1b: {  	[sflag:s11] =	ssyncset.done $0x0  }
0x1c: {  	[sflag:s11] =	ssyncadd.s32 $0xFFFFD8F0  }
0x1d: {  	[tilespmem:s15], [sflag:$0x1] =	stream.indirect.gather [hbm4b:s1+s14], $0x80, s12, s14, $0xb8;
	[tilespmem:$0x1DF00] =	vst v63  }
0x1e: {  	[bflag:$0x0] =	sbarrier.arrive $0xFFFF  }
0x1f: {  	_ =	swait.ge [sflag:s16], $0x2800  }
0x20: {  	[sflag:s16] =	ssyncset.done $0x0  }
0x21: {  	s21 =	simm.s32 $0x14050;
	[sflag:s16] =	ssyncadd.s32 $0xFFFFD800  }
0x22: {  	[tilespmem:s17], [sflag:$0x2] =	stream.indirect.gather [hbm4b:s1+s14], $0x80, s21, s14, $0xb8;
	[tilespmem:$0x1DF00] =	vst v63  }
0x23: {  	_ =	swait.ge [sflag:s18], $0x2800  }
0x24: {  	[sflag:s18] =	ssyncset.done $0x0  }
0x25: {  	s22 =	simm.s32 $0x140A0;
	s21 =	simm.s32 $0xFFFF6A00;
	[sflag:s18] =	ssyncadd.s32 $0xFFFFD800  }
.LBB2_2:
0x26: {  	[tilespmem:s15], [sflag:$0x1] =	stream.indirect.gather [hbm4b:s1+s14], $0x80, s22, s14, $0xb8;
	[tilespmem:$0x1DF00] =	vst v63  }
0x27: {  	s22 =	smov.u32 s21  }
0x28: {  	p0 =	sne.s32 s21, $0xFFFFFD80;
	s21 =	sadd.s32 $0x280, s21;
	_ =	swait.ge [sflag:s16], $0x2800  }
0x29: {  	s22 =	sshra.s32 s22, $0x2;
	[sflag:s16] =	ssyncset.done $0x0  }
.Ltmp0:
0x2a: {  	s23 =	sadd.s32 $0x16670, s22;
	[sflag:s16] =	ssyncadd.s32 $0xFFFFD800;
	(pc) =	sbr.rel @p0 .LBB2_2-.Ltmp0, $4  }
0x2b: {  	[tilespmem:s17], [sflag:$0x2] =	stream.indirect.gather [hbm4b:s1+s14], $0x80, s23, s14, $0xb8;
	[tilespmem:$0x1DF00] =	vst v63  }
0x2c: {  	_ =	swait.ge [sflag:s18], $0x2800  }
0x2d: {  	[sflag:s18] =	ssyncset.done $0x0  }
0x2e: {  	s22 =	sadd.s32 $0x166C0, s22;
	[sflag:s18] =	ssyncadd.s32 $0xFFFFD800  }
0x2f: {  	[tilespmem:s15], [sflag:$0x1] =	stream.indirect.gather [hbm4b:s1+s14], $0x80, s22, s14, $0xb8;
	[tilespmem:$0x1DF00] =	vst v63  }
0x30: {  	_ =	swait.ge [sflag:s16], $0x2800  }
0x31: {  	[sflag:s16] =	ssyncset.done $0x0  }
0x32: {  	[sflag:s16] =	ssyncadd.s32 $0xFFFFD800  }
0x33: {  	[tilespmem:s17], [sflag:$0x2] =	stream.indirect.gather [hbm4b:s1+s14], $0x80, s19, s14, $0xb8;
	[tilespmem:$0x1DF00] =	vst v63  }
0x34: {  	_ =	swait.ge [sflag:s18], $0x2800  }
0x35: {  	s20 =	sadd.s32 $0x1, s20;
	[sflag:s18] =	ssyncset.done $0x0  }
0x36: {  	p0 =	sne.s32 s20, s8;
	[sflag:s18] =	ssyncadd.s32 $0xFFFFD800  }
.Ltmp1:
0x37: {  	[bflag:$0x0] =	sbarrier.arrive $0xFFFF;
	(pc) =	sbr.rel @p0 .LBB2_1-.Ltmp1, $4  }
0x38: {  	[hbm:s9], [sflag:s5] =	dma.local [spmem:s10], $0x2800  }
0x39: {  	_ =	swait.ge [sflag:s11], $0x2800  }
0x3a: {  	[sflag:s11] =	ssyncset.done $0x0  }
0x3b: {  	[sflag:s11] =	ssyncadd.s32 $0xFFFFD800  }
0x3c: {  	_ =	sfence.sel $0x180000  }
0x3d: {  	[bflag:$0x0] =	sbarrier.arrive $0xFFFF  }
0x3e: {  	p0 =	sne.s32 s0, $0x0;
	_ =	strace $0x9000004A  }
0x3f: {  	s0 =	sadd.s32 @!p0 $0x100000, s2;
	[bflag:$0x2] =	sbarrier.arrive $0xFFFF  }
0x40: {  	[sflag:s0] =	ssyncadd.tile.s32 @!p0 $0x1;
	_ =	shalt  }
.Lfunc_end2:
_tile_overlayer_lowered:
.L_overlay_start_2:
0x41: {  	(tag) =	ssettag $0x2  }
0x42: {  	s0 =	rddreg [dreg:$0x0];
	s2 =	stileid.u32  }
0x43: {  	s1 =	rddreg [dreg:$0x1];
	p0 =	sne.s32 s2, $0x0  }
0x44: {  	s3 =	rddreg [dreg:$0x2];
	[bflag:$0x3] =	sbarrier.arrive $0xFFFF;
	s2 =	simm.s32 @!p0 $0x1C03  }
0x45: {  	[timem:s3], [sflag:s2] =	dma.local @!p0 [hbm:s0], s1  }
0x46: {  	s0 =	simm.s32 @!p0 $0x3  }
0x47: {  	_ =	swait.ge @!p0 [sflag:s0], s1  }
0x48: {  	s1 =	ssub.s32 @!p0 $0x0, s1;
	[sflag:s0] =	ssyncset.done @!p0 $0x0  }
0x49: {  	[sflag:s0] =	ssyncadd.s32 @!p0 s1  }
0x4a: {  	[bflag:$0x3] =	sbarrier.arrive $0xFFFF  }
0x4b: {  	_ =	shalt  }

// kernel: kernel.14.cloned.1.call-start
scs
__scs_entry_jumppad:
0x0: {  	(pc) =	sbr.rel $0x88, $3  }
0x1: {  	(tag) =	ssettag $0x0;
	lr =	simm.s32 $0x1  }
0x2: {  	[smem:$0x3F97] =	sst lr;
	_ =	strace $0xD0000000  }
0x3: {  	_ = 	snop  }
0x4: {  	_ = 	snop  }
0x5: {  	_ = 	snop  }
0x6: {  	_ = 	snop  }
0x7: {  	_ = 	snop  }
__scs_overlays_trampoline_lowered:
0x8: {  	[smem:$0x3FA6] =	sst s0  }
0x9: {  	[smem:$0x3FA7] =	sst s1  }
0xa: {  	[smem:$0x3FA8] =	sst s2  }
0xb: {  	[smem:$0x3FA9] =	sst s3  }
0xc: {  	[smem:$0x3FAA] =	sst s4  }
0xd: {  	[smem:$0x3FAB] =	sst s5  }
0xe: {  	[smem:$0x3FAC] =	sst s6  }
0xf: {  	[smem:$0x3FAD] =	sst s7  }
0x10: {  	[smem:$0x3FAE] =	sst s8  }
0x11: {  	[smem:$0x3FAF] =	sst s9;
	s0 =	simm.s32 @!p0 $0x0  }
0x12: {  	s1 =	sld [smem:$0x3F95];
	s0 =	simm.s32 @p0 $0x1  }
0x13: {  	[smem:$0x3FB0] =	sst s0;
	s0 =	simm.s32 @!p1 $0x0  }
0x14: {  	s2 =	sld [smem:$0x3F94];
	s0 =	simm.s32 @p1 $0x1  }
0x15: {  	[smem:$0x3FB1] =	sst s0;
	s0 =	simm.s32 @!p2 $0x0  }
0x16: {  	s3 =	sld [smem:$0x3FDB];
	s0 =	simm.s32 @p2 $0x1  }
0x17: {  	s4 =	simm.s32 $0x1BF5;
	[smem:$0x3FB3] =	sst s0  }
0x18: {  	s0 =	sld [smem:$0x3F96];
	_ =	swait.ge [sflag:s4], $0x0  }
0x19: {  	s7 =	sld [smem:$0x3F97]  }
0x1a: {  	s8 =	sadd.s32 $0xFFFFE003, lr  }
0x1b: {  	s9 =	sadd.s32 $0xFFFFFEF7, lr;
	s5 =	simm.s32 $0xFFFFFFFF;
	p2 =	slt.u32 s8, $0xFFFFF086  }
0x1c: {  	p1 =	slt.u32 s9, $0xF7A;
	s5 =	simm.s32 @!p2 $0x0  }
0x1d: {  	s5 =	simm.s32 @p1 $0x1;
	p0 =	seq.s32 s7, s2  }
0x1e: {  	s7 =	smul.u32 @!p0 $0xF7A, s2;
	p2 =	seq.s32 @!p0 s5, $0x0  }
0x1f: {  	s9 =	smul.u32 $0xF7A, s1;
	s8 =	simm.s32 @!p0 $0x1BF5;
	p2 =	por !p2, p0  }
0x20: {  	[sflag:s8] =	ssyncset.s32 @!p0 $0xFFFFF086;
	s6 =	sadd.s32 @!p0 s3, s7;
	s7 =	simm.s32 @!p0 $0x108  }
0x21: {  	s3 =	sadd.s32 s3, s9;
	s6 =	sadd.s32 @!p0 $0x88, s6;
	s7 =	simm.s32 @p2 $0x1082  }
0x22: {  	[simem:s7], [sflag:s8] =	dma.local @!p0 [hbm:s6], $0xF7A  }
0x23: {  	s9 =	sor.u32 $0xD0000000, s2;
	s6 =	simm.s32 $0x108;
	_ =	swait.ge @!p0 [sflag:s8], $0x0  }
0x24: {  	s3 =	sadd.s32 $0x88, s3;
	s6 =	simm.s32 @!p1 $0x1082;
	[sflag:s4] =	ssyncset.s32 $0xFFFFF086  }
0x25: {  	[simem:s6], [sflag:s4] =	dma.local [hbm:s3], $0xF7A  }
0x26: {  	[smem:$0x3F97] =	sst s1;
	(tag) =	ssettag s2;
	_ =	strace s9  }
0x27: {  	s1 =	sld [smem:$0x3FA7]  }
0x28: {  	s2 =	sld [smem:$0x3FA8]  }
0x29: {  	s4 =	sld [smem:$0x3FAA]  }
0x2a: {  	p0 =	seq.s32 s5, $0x0;
	s5 =	sld [smem:$0x3FAB]  }
0x2b: {  	s6 =	sld [smem:$0x3FAC]  }
0x2c: {  	s7 =	sld [smem:$0x3FAD]  }
0x2d: {  	s3 =	simm.s32 $0x108;
	s8 =	sld [smem:$0x3FAE]  }
0x2e: {  	s3 =	simm.s32 @!p0 $0x1082;
	s9 =	sld [smem:$0x3FAF]  }
0x2f: {  	lr =	sadd.s32 s0, s3;
	s0 =	sld [smem:$0x3FA6]  }
0x30: {  	s3 =	sld [smem:$0x3FA9]  }
0x31: {  	[smem:$0x3FB2] =	sst s10  }
0x32: {  	s10 =	sld [smem:$0x3FB0];
	_ =	sdelay $0x3  }
0x33: {  	p0 =	seq.s32 s10, $0x1;
	s10 =	sld [smem:$0x3FB2];
	_ =	sdelay $0x3  }
0x34: {  	[smem:$0x3FB2] =	sst s10  }
0x35: {  	s10 =	sld [smem:$0x3FB1];
	_ =	sdelay $0x3  }
0x36: {  	p1 =	seq.s32 s10, $0x1;
	s10 =	sld [smem:$0x3FB2];
	_ =	sdelay $0x3  }
0x37: {  	[smem:$0x3FB2] =	sst s10  }
0x38: {  	s10 =	sld [smem:$0x3FB3]  }
0x39: {  	_ = 	snop;
	(pc) =	sbr.ind lr, $3  }
0x3a: {  	_ = 	snop  }
0x3b: {  	_ = 	snop  }
0x3c: {  	p2 =	seq.s32 s10, $0x1;
	s10 =	sld [smem:$0x3FB2]  }
0x3d: {  	_ =	shalt  }
0x3e: {  	_ =	shalt  }
0x3f: {  	_ =	shalt  }
0x40: {  	_ =	shalt  }
0x41: {  	_ =	shalt  }
0x42: {  	_ =	shalt  }
0x43: {  	_ =	shalt  }
0x44: {  	_ =	shalt  }
0x45: {  	_ =	shalt  }
0x46: {  	_ =	shalt  }
0x47: {  	_ =	shalt  }
0x48: {  	_ =	shalt  }
0x49: {  	_ =	shalt  }
0x4a: {  	_ =	shalt  }
0x4b: {  	_ =	shalt  }
0x4c: {  	_ =	shalt  }
0x4d: {  	_ =	shalt  }
0x4e: {  	_ =	shalt  }
0x4f: {  	_ =	shalt  }
0x50: {  	_ =	shalt  }
0x51: {  	_ =	shalt  }
0x52: {  	_ =	shalt  }
0x53: {  	_ =	shalt  }
0x54: {  	_ =	shalt  }
0x55: {  	_ =	shalt  }
0x56: {  	_ =	shalt  }
0x57: {  	_ =	shalt  }
0x58: {  	_ =	shalt  }
0x59: {  	_ =	shalt  }
0x5a: {  	_ =	shalt  }
0x5b: {  	_ =	shalt  }
0x5c: {  	_ =	shalt  }
0x5d: {  	_ =	shalt  }
0x5e: {  	_ =	shalt  }
0x5f: {  	_ =	shalt  }
0x60: {  	_ =	shalt  }
0x61: {  	_ =	shalt  }
0x62: {  	_ =	shalt  }
0x63: {  	_ =	shalt  }
0x64: {  	_ =	shalt  }
0x65: {  	_ =	shalt  }
0x66: {  	_ =	shalt  }
0x67: {  	_ =	shalt  }
0x68: {  	_ =	shalt  }
0x69: {  	_ =	shalt  }
0x6a: {  	_ =	shalt  }
0x6b: {  	_ =	shalt  }
0x6c: {  	_ =	shalt  }
0x6d: {  	_ =	shalt  }
0x6e: {  	_ =	shalt  }
0x6f: {  	_ =	shalt  }
0x70: {  	_ =	shalt  }
0x71: {  	_ =	shalt  }
0x72: {  	_ =	shalt  }
0x73: {  	_ =	shalt  }
0x74: {  	_ =	shalt  }
0x75: {  	_ =	shalt  }
0x76: {  	_ =	shalt  }
0x77: {  	_ =	shalt  }
0x78: {  	_ =	shalt  }
0x79: {  	_ =	shalt  }
0x7a: {  	_ =	shalt  }
0x7b: {  	_ =	shalt  }
0x7c: {  	_ =	shalt  }
0x7d: {  	_ =	shalt  }
0x7e: {  	_ =	shalt  }
0x7f: {  	_ =	shalt  }
0x80: {  	_ =	shalt  }
0x81: {  	_ =	shalt  }
0x82: {  	_ =	shalt  }
0x83: {  	_ =	shalt  }
0x84: {  	_ =	shalt  }
0x85: {  	_ =	shalt  }
0x86: {  	_ =	shalt  }
0x87: {  	_ =	shalt  }
.Lfunc_end0:
.L_simem_size_0:
called_computation.2_lowered:
.L_overlay_start_0:
0x88: {  	s2 =	sld [smem:$0x3FD9]  }
0x89: {  	s3 =	sld [smem:$0x3FFE];
	_ =	sdelay $0x1  }
0x8a: {  	s1 =	srdreg.scid  }
0x8b: {  	s0 =	sand.u32 $0x1, s1  }
0x8c: {  	s16 =	sshll.u32 s0, $0xA;
	s2 =	sadd.s32 s3, s2  }
0x8d: {  	s2 =	sadd.s32 s2, s16  }
0x8e: {  	[smem:$0x3FBE] =	sst s2  }
0x8f: {  	_ = 	snop  }
0x90: {  	(tm) =	ssettm $0x1  }
0x91: {  	s17 =	sld [smem:$0x3FFB];
	_ =	sdelay $0x3  }
0x92: {  	_ =	strace s17  }
0x93: {  	s2 =	sld [smem:$0x3FFC];
	_ =	sdelay $0x3  }
0x94: {  	_ =	strace s2  }
0x95: {  	s2 =	sld [smem:$0x3FFD];
	_ =	sdelay $0x3  }
0x96: {  	_ =	strace s2  }
0x97: {  	_ =	strace $0x8FFFFFFF  }
0x98: {  	s18 =	sld [smem:$0x3FDB];
	_ =	sdelay $0x1  }
0x99: {  	s19 =	simm.s32 $_scs_section_size  }
0x9a: {  	s4 =	simm.s32 $_size__tile_overlayer_lowered;
	s5 =	simm.s32 $_tile_overlayer_lowered  }
0x9b: {  	s22 =	simm.s32 $0x1BFF;
	s21 =	sshll.u32 s5, $0x1;
	s2 =	sadd.s32 s19, s18  }
0x9c: {  	s6 =	simm.s32 $0x0;
	s20 =	sshll.u32 s4, $0x1;
	s4 =	sadd.s32 s21, s2  }
0x9d: {  	[timem:s6], [sflag:s22] =	dma.local [hbm:s4], s20  }
0x9e: {  	_ =	swait.ge [sflag:s22], s20  }
0x9f: {  	s3 =	ssub.s32 $0x0, s20;
	[sflag:s22] =	ssyncset.done $0x0  }
0xa0: {  	[sflag:s22] =	ssyncadd.s32 s3;
	_ =	sdelay $0x1  }
0xa1: {  	s23 =	simm.s32 $0x1B8B  }
0xa2: {  	_ =	swait.ge [sflag:s23], $0x1  }
0xa3: {  	[sflag:s23] =	ssyncset.done $0x0  }
0xa4: {  	s25 =	simm.s32 $0x1B8E;
	s24 =	sld [smem:$0x3FFE];
	[sflag:s23] =	ssyncadd.s32 $0xFFFFFFFF  }
0xa5: {  	s26 =	simm.s32 $execute0_lowered;
	[smem:$0x3FD2] =	sst s25  }
0xa6: {  	s4 =	sshll.u32 s26, $0x1;
	_ =	strace $0x8000004C;
	[dreg:$0x1] =	wrdreg $0xFFFFFFFF  }
0xa7: {  	s28 =	simm.s32 $_size_execute0_lowered;
	s2 =	sadd.s32 s2, s4;
	[dreg:$0x0] =	wrdreg $0x0  }
0xa8: {  	s4 =	sshll.u32 s28, $0x1;
	[dreg:$0x2] =	wrdreg s2  }
0xa9: {  	[dreg:$0x3] =	wrdreg s4  }
0xaa: {  	[dreg:$0x4] =	wrdreg $0xC0  }
0xab: {  	_ =	task [dreg:s6], $0x5FFFF  }
0xac: {  	[dreg:$0x1] =	wrdreg $0xFFFFFFFF  }
0xad: {  	[dreg:$0x0] =	wrdreg $0x60  }
0xae: {  	[dreg:$0x2] =	wrdreg s24  }
0xaf: {  	[dreg:$0x3] =	wrdreg $0x0  }
0xb0: {  	[dreg:$0x4] =	wrdreg $0x9  }
0xb1: {  	_ =	task.clear_ibuf [dreg:s6], $0x5FFFF;
	_ =	strace $0x9000004C  }
0xb2: {  	s29 =	simm.s32 $0x9;
	_ =	strace $0x8000004E  }
0xb3: {  	_ =	swait.ge [sflag:s29], $0x1  }
0xb4: {  	[sflag:s29] =	ssyncadd.s32 $0xFFFFFFFF  }
0xb5: {  	_ =	strace $0x9000004E  }
0xb6: {  	_ =	sfence  }
0xb7: {  	s30 =	sld [smem:$0x0];
	_ =	sdelay $0x2  }
0xb8: {  	s31 =	sshll.u32 s1, $0xD;
	s1 =	sshrl.u32 s1, $0x2  }
0xb9: {  	s3 =	sand.u32 $0x4000, s31;
	s1 =	sadd.s32 s1, s30  }
0xba: {  	s0 =	sor.u32 s3, s0;
	s1 =	sshll.u32 s1, $0x11  }
0xbb: {  	s0 =	sor.u32 s1, s0  }
0xbc: {  	s0 =	sadd.s32 $0x8F2B, s0  }
0xbd: {  	[sflag:s0] =	ssyncadd.remote.s32 $0x1  }
0xbe: {  	_ =	sfence.sel $0xFFFF  }
0xbf: {  	[dreg:$0x0] =	wrdreg $0xFFFFFFFF;
	(pc) =	sbr.abs _section_cstart, $3  }
0xc0: {  	[dreg:$0x1] =	wrdreg $0xFFFFFFFF  }
0xc1: {  	_ =	task.clear_ibuf [dreg:s6], $0x2FFFF;
	_ =	strace $0x9FFFFFFF  }
0xc2: {  	(tm) =	ssettm $0x7FFFFFFF  }
0xc3: {  	_ =	shalt  }
tec
execute0_lowered:
.L_overlay_start_1:
0x0: {  	(tag) =	ssettag $0x1  }
0x1: {  	s0 =	srdreg.scid;
	s9 =	rddreg [dreg:$0x0]  }
0x2: {  	s5 =	rddreg [dreg:$0x1];
	s1 =	stileid.u32  }
0x3: {  	s2 =	simm.s32 $0x0;
	s12 =	simm.s32 $0x69600;
	s14 =	simm.s32 $0x50  }
0x4: {  	s15 =	simm.s32 $0x18F00;
	s16 =	simm.s32 $0x1;
	s17 =	simm.s32 $0x1B700  }
0x5: {  	s18 =	simm.s32 $0x2;
	s19 =	simm.s32 $0x16670;
	s20 =	simm.s32 $0x0  }
0x6: {  	s6 =	sand.u32 $0x1, s0;
	s0 =	rddreg [dreg:$0x2];
	s7 =	smul.u32 $0x50000, s1  }
0x7: {  	[smem:$0x7FF] =	sst s2;
	s31 =	sshll.u32 s1, $0x6;
	s13 =	smul.u32 $0x2800, s1  }
0x8: {  	s3 =	sshll.u32 s6, $0x4;
	_ =	strace $0x8000004D;
	s10 =	ssub.s32 $0x2, s6  }
0x9: {  	p0 =	seq.s32 s6, $0x1;
	s3 =	sor.u32 s1, s3;
	s11 =	sshrl.u32 s10, $0x1  }
0xa: {  	s7 =	sshrl.u32 s7, $0x2;
	s12 =	simm.s32 @!p0 $0x41600;
	s4 =	smul.u32 $0x4E2, s3  }
0xb: {  	s3 =	sadd.s32 $0x1A400, s9;
	s10 =	ssub.s32 s10, s11;
	s30 =	sadd.s32 s7, s5  }
0xc: {  	s5 =	sor.u32 $0x1C03, s31;
	s11 =	simm.s32 $0x3;
	s8 =	sadd.s32 s4, s9  }
0xd: {  	s4 =	sadd.s32 $0x17C00, s9;
	s9 =	sadd.s32 s12, s9;
	s12 =	simm.s32 $0x14000  }
0xe: {  	s6 =	sadd.s32 $0xDE00, s8;
	s7 =	sadd.s32 $0x4000, s8;
	s8 =	smax.u32 s10, $0x1  }
0xf: {  	s9 =	sadd.s32 s9, s13;
	s10 =	sshrl.u32 s30, $0x3;
	s13 =	simm.s32 $0x16780  }
.LBB2_1:
0x10: {  	[spmem:s10], [sflag:s5] =	dma.local [hbm:s4], $0x2800  }
0x11: {  	_ =	swait.ge [sflag:s11], $0x2800  }
0x12: {  	[sflag:s11] =	ssyncset.done $0x0  }
0x13: {  	[sflag:s11] =	ssyncadd.s32 $0xFFFFD800  }
0x14: {  	[tilespmem:s12], [sflag:$0x3] =	stream.linear.gather [hbm4b:s6+s2], $0x2710, $0x38;
	[tilespmem:$0x1DF00] =	vst v63  }
0x15: {  	_ =	swait.ge [sflag:s11], $0x2710  }
0x16: {  	[sflag:s11] =	ssyncset.done $0x0  }
0x17: {  	[sflag:s11] =	ssyncadd.s32 $0xFFFFD8F0  }
0x18: {  	[tilespmem:s13], [sflag:$0x3] =	stream.linear.gather [hbm4b:s7+s2], $0x2710, $0x38;
	[tilespmem:$0x1DF00] =	vst v63  }
0x19: {  	_ =	swait.ge [sflag:s11], $0x2710  }
0x1a: {  	[sflag:s11] =	ssyncset.done $0x0  }
0x1b: {  	[sflag:s11] =	ssyncadd.s32 $0xFFFFD8F0  }
0x1c: {  	[tilespmem:s15], [sflag:$0x1] =	stream.indirect.gather [hbm4b:s3+s14], $0x80, s12, s14, $0xb8;
	[tilespmem:$0x1DF00] =	vst v63  }
0x1d: {  	[bflag:$0x0] =	sbarrier.arrive $0xFFFF  }
0x1e: {  	_ =	swait.ge [sflag:s16], $0x2800  }
0x1f: {  	[sflag:s16] =	ssyncset.done $0x0  }
0x20: {  	s21 =	simm.s32 $0x14050;
	[sflag:s16] =	ssyncadd.s32 $0xFFFFD800  }
0x21: {  	[tilespmem:s17], [sflag:$0x2] =	stream.indirect.gather [hbm4b:s3+s14], $0x80, s21, s14, $0xb8;
	[tilespmem:$0x1DF00] =	vst v63  }
0x22: {  	_ =	swait.ge [sflag:s18], $0x2800  }
0x23: {  	[sflag:s18] =	ssyncset.done $0x0  }
0x24: {  	s22 =	simm.s32 $0x140A0;
	s21 =	simm.s32 $0xFFFF6A00;
	[sflag:s18] =	ssyncadd.s32 $0xFFFFD800  }
.LBB2_2:
0x25: {  	[tilespmem:s15], [sflag:$0x1] =	stream.indirect.gather [hbm4b:s3+s14], $0x80, s22, s14, $0xb8;
	[tilespmem:$0x1DF00] =	vst v63  }
0x26: {  	s22 =	smov.u32 s21  }
0x27: {  	p0 =	sne.s32 s21, $0xFFFFFD80;
	s21 =	sadd.s32 $0x280, s21;
	_ =	swait.ge [sflag:s16], $0x2800  }
0x28: {  	s22 =	sshra.s32 s22, $0x2;
	[sflag:s16] =	ssyncset.done $0x0  }
.Ltmp0:
0x29: {  	s23 =	sadd.s32 $0x16670, s22;
	[sflag:s16] =	ssyncadd.s32 $0xFFFFD800;
	(pc) =	sbr.rel @p0 .LBB2_2-.Ltmp0, $4  }
0x2a: {  	[tilespmem:s17], [sflag:$0x2] =	stream.indirect.gather [hbm4b:s3+s14], $0x80, s23, s14, $0xb8;
	[tilespmem:$0x1DF00] =	vst v63  }
0x2b: {  	_ =	swait.ge [sflag:s18], $0x2800  }
0x2c: {  	[sflag:s18] =	ssyncset.done $0x0  }
0x2d: {  	s22 =	sadd.s32 $0x166C0, s22;
	[sflag:s18] =	ssyncadd.s32 $0xFFFFD800  }
0x2e: {  	[tilespmem:s15], [sflag:$0x1] =	stream.indirect.gather [hbm4b:s3+s14], $0x80, s22, s14, $0xb8;
	[tilespmem:$0x1DF00] =	vst v63  }
0x2f: {  	_ =	swait.ge [sflag:s16], $0x2800  }
0x30: {  	[sflag:s16] =	ssyncset.done $0x0  }
0x31: {  	[sflag:s16] =	ssyncadd.s32 $0xFFFFD800  }
0x32: {  	[tilespmem:s17], [sflag:$0x2] =	stream.indirect.gather [hbm4b:s3+s14], $0x80, s19, s14, $0xb8;
	[tilespmem:$0x1DF00] =	vst v63  }
0x33: {  	_ =	swait.ge [sflag:s18], $0x2800  }
0x34: {  	s20 =	sadd.s32 $0x1, s20;
	[sflag:s18] =	ssyncset.done $0x0  }
0x35: {  	p0 =	sne.s32 s20, s8;
	[sflag:s18] =	ssyncadd.s32 $0xFFFFD800  }
.Ltmp1:
0x36: {  	[bflag:$0x0] =	sbarrier.arrive $0xFFFF;
	(pc) =	sbr.rel @p0 .LBB2_1-.Ltmp1, $4  }
0x37: {  	[hbm:s9], [sflag:s5] =	dma.local [spmem:s10], $0x2800  }
0x38: {  	_ =	swait.ge [sflag:s11], $0x2800  }
0x39: {  	[sflag:s11] =	ssyncset.done $0x0  }
0x3a: {  	[sflag:s11] =	ssyncadd.s32 $0xFFFFD800  }
0x3b: {  	_ =	sfence.sel $0x180000  }
0x3c: {  	[bflag:$0x0] =	sbarrier.arrive $0xFFFF  }
0x3d: {  	p0 =	sne.s32 s1, $0x0;
	_ =	strace $0x9000004D  }
0x3e: {  	s0 =	sadd.s32 @!p0 $0x100000, s0;
	[bflag:$0x2] =	sbarrier.arrive $0xFFFF  }
0x3f: {  	[sflag:s0] =	ssyncadd.tile.s32 @!p0 $0x1;
	_ =	shalt  }
.Lfunc_end2:
_tile_overlayer_lowered:
.L_overlay_start_2:
0x40: {  	(tag) =	ssettag $0x2  }
0x41: {  	s0 =	rddreg [dreg:$0x0];
	s2 =	stileid.u32  }
0x42: {  	s1 =	rddreg [dreg:$0x1];
	p0 =	sne.s32 s2, $0x0  }
0x43: {  	s3 =	rddreg [dreg:$0x2];
	[bflag:$0x3] =	sbarrier.arrive $0xFFFF;
	s2 =	simm.s32 @!p0 $0x1C03  }
0x44: {  	[timem:s3], [sflag:s2] =	dma.local @!p0 [hbm:s0], s1  }
0x45: {  	s0 =	simm.s32 @!p0 $0x3  }
0x46: {  	_ =	swait.ge @!p0 [sflag:s0], s1  }
0x47: {  	s1 =	ssub.s32 @!p0 $0x0, s1;
	[sflag:s0] =	ssyncset.done @!p0 $0x0  }
0x48: {  	[sflag:s0] =	ssyncadd.s32 @!p0 s1  }
0x49: {  	[bflag:$0x3] =	sbarrier.arrive $0xFFFF  }
0x4a: {  	_ =	shalt  }

// kernel: kernel.8.cloned.1.call-start
scs
__scs_entry_jumppad:
0x0: {  	(pc) =	sbr.rel $0x88, $3  }
0x1: {  	(tag) =	ssettag $0x0;
	lr =	simm.s32 $0x1  }
0x2: {  	[smem:$0x3F97] =	sst lr;
	_ =	strace $0xD0000000  }
0x3: {  	_ = 	snop  }
0x4: {  	_ = 	snop  }
0x5: {  	_ = 	snop  }
0x6: {  	_ = 	snop  }
0x7: {  	_ = 	snop  }
__scs_overlays_trampoline_lowered:
0x8: {  	[smem:$0x3FA6] =	sst s0  }
0x9: {  	[smem:$0x3FA7] =	sst s1  }
0xa: {  	[smem:$0x3FA8] =	sst s2  }
0xb: {  	[smem:$0x3FA9] =	sst s3  }
0xc: {  	[smem:$0x3FAA] =	sst s4  }
0xd: {  	[smem:$0x3FAB] =	sst s5  }
0xe: {  	[smem:$0x3FAC] =	sst s6  }
0xf: {  	[smem:$0x3FAD] =	sst s7  }
0x10: {  	[smem:$0x3FAE] =	sst s8  }
0x11: {  	[smem:$0x3FAF] =	sst s9;
	s0 =	simm.s32 @!p0 $0x0  }
0x12: {  	s1 =	sld [smem:$0x3F95];
	s0 =	simm.s32 @p0 $0x1  }
0x13: {  	[smem:$0x3FB0] =	sst s0;
	s0 =	simm.s32 @!p1 $0x0  }
0x14: {  	s2 =	sld [smem:$0x3F94];
	s0 =	simm.s32 @p1 $0x1  }
0x15: {  	[smem:$0x3FB1] =	sst s0;
	s0 =	simm.s32 @!p2 $0x0  }
0x16: {  	s3 =	sld [smem:$0x3FDB];
	s0 =	simm.s32 @p2 $0x1  }
0x17: {  	s4 =	simm.s32 $0x1BF5;
	[smem:$0x3FB3] =	sst s0  }
0x18: {  	s0 =	sld [smem:$0x3F96];
	_ =	swait.ge [sflag:s4], $0x0  }
0x19: {  	s7 =	sld [smem:$0x3F97]  }
0x1a: {  	s8 =	sadd.s32 $0xFFFFE003, lr  }
0x1b: {  	s9 =	sadd.s32 $0xFFFFFEF7, lr;
	s5 =	simm.s32 $0xFFFFFFFF;
	p2 =	slt.u32 s8, $0xFFFFF086  }
0x1c: {  	p1 =	slt.u32 s9, $0xF7A;
	s5 =	simm.s32 @!p2 $0x0  }
0x1d: {  	s5 =	simm.s32 @p1 $0x1;
	p0 =	seq.s32 s7, s2  }
0x1e: {  	s7 =	smul.u32 @!p0 $0xF7A, s2;
	p2 =	seq.s32 @!p0 s5, $0x0  }
0x1f: {  	s9 =	smul.u32 $0xF7A, s1;
	s8 =	simm.s32 @!p0 $0x1BF5;
	p2 =	por !p2, p0  }
0x20: {  	[sflag:s8] =	ssyncset.s32 @!p0 $0xFFFFF086;
	s6 =	sadd.s32 @!p0 s3, s7;
	s7 =	simm.s32 @!p0 $0x108  }
0x21: {  	s3 =	sadd.s32 s3, s9;
	s6 =	sadd.s32 @!p0 $0x88, s6;
	s7 =	simm.s32 @p2 $0x1082  }
0x22: {  	[simem:s7], [sflag:s8] =	dma.local @!p0 [hbm:s6], $0xF7A  }
0x23: {  	s9 =	sor.u32 $0xD0000000, s2;
	s6 =	simm.s32 $0x108;
	_ =	swait.ge @!p0 [sflag:s8], $0x0  }
0x24: {  	s3 =	sadd.s32 $0x88, s3;
	s6 =	simm.s32 @!p1 $0x1082;
	[sflag:s4] =	ssyncset.s32 $0xFFFFF086  }
0x25: {  	[simem:s6], [sflag:s4] =	dma.local [hbm:s3], $0xF7A  }
0x26: {  	[smem:$0x3F97] =	sst s1;
	(tag) =	ssettag s2;
	_ =	strace s9  }
0x27: {  	s1 =	sld [smem:$0x3FA7]  }
0x28: {  	s2 =	sld [smem:$0x3FA8]  }
0x29: {  	s4 =	sld [smem:$0x3FAA]  }
0x2a: {  	p0 =	seq.s32 s5, $0x0;
	s5 =	sld [smem:$0x3FAB]  }
0x2b: {  	s6 =	sld [smem:$0x3FAC]  }
0x2c: {  	s7 =	sld [smem:$0x3FAD]  }
0x2d: {  	s3 =	simm.s32 $0x108;
	s8 =	sld [smem:$0x3FAE]  }
0x2e: {  	s3 =	simm.s32 @!p0 $0x1082;
	s9 =	sld [smem:$0x3FAF]  }
0x2f: {  	lr =	sadd.s32 s0, s3;
	s0 =	sld [smem:$0x3FA6]  }
0x30: {  	s3 =	sld [smem:$0x3FA9]  }
0x31: {  	[smem:$0x3FB2] =	sst s10  }
0x32: {  	s10 =	sld [smem:$0x3FB0];
	_ =	sdelay $0x3  }
0x33: {  	p0 =	seq.s32 s10, $0x1;
	s10 =	sld [smem:$0x3FB2];
	_ =	sdelay $0x3  }
0x34: {  	[smem:$0x3FB2] =	sst s10  }
0x35: {  	s10 =	sld [smem:$0x3FB1];
	_ =	sdelay $0x3  }
0x36: {  	p1 =	seq.s32 s10, $0x1;
	s10 =	sld [smem:$0x3FB2];
	_ =	sdelay $0x3  }
0x37: {  	[smem:$0x3FB2] =	sst s10  }
0x38: {  	s10 =	sld [smem:$0x3FB3]  }
0x39: {  	_ = 	snop;
	(pc) =	sbr.ind lr, $3  }
0x3a: {  	_ = 	snop  }
0x3b: {  	_ = 	snop  }
0x3c: {  	p2 =	seq.s32 s10, $0x1;
	s10 =	sld [smem:$0x3FB2]  }
0x3d: {  	_ =	shalt  }
0x3e: {  	_ =	shalt  }
0x3f: {  	_ =	shalt  }
0x40: {  	_ =	shalt  }
0x41: {  	_ =	shalt  }
0x42: {  	_ =	shalt  }
0x43: {  	_ =	shalt  }
0x44: {  	_ =	shalt  }
0x45: {  	_ =	shalt  }
0x46: {  	_ =	shalt  }
0x47: {  	_ =	shalt  }
0x48: {  	_ =	shalt  }
0x49: {  	_ =	shalt  }
0x4a: {  	_ =	shalt  }
0x4b: {  	_ =	shalt  }
0x4c: {  	_ =	shalt  }
0x4d: {  	_ =	shalt  }
0x4e: {  	_ =	shalt  }
0x4f: {  	_ =	shalt  }
0x50: {  	_ =	shalt  }
0x51: {  	_ =	shalt  }
0x52: {  	_ =	shalt  }
0x53: {  	_ =	shalt  }
0x54: {  	_ =	shalt  }
0x55: {  	_ =	shalt  }
0x56: {  	_ =	shalt  }
0x57: {  	_ =	shalt  }
0x58: {  	_ =	shalt  }
0x59: {  	_ =	shalt  }
0x5a: {  	_ =	shalt  }
0x5b: {  	_ =	shalt  }
0x5c: {  	_ =	shalt  }
0x5d: {  	_ =	shalt  }
0x5e: {  	_ =	shalt  }
0x5f: {  	_ =	shalt  }
0x60: {  	_ =	shalt  }
0x61: {  	_ =	shalt  }
0x62: {  	_ =	shalt  }
0x63: {  	_ =	shalt  }
0x64: {  	_ =	shalt  }
0x65: {  	_ =	shalt  }
0x66: {  	_ =	shalt  }
0x67: {  	_ =	shalt  }
0x68: {  	_ =	shalt  }
0x69: {  	_ =	shalt  }
0x6a: {  	_ =	shalt  }
0x6b: {  	_ =	shalt  }
0x6c: {  	_ =	shalt  }
0x6d: {  	_ =	shalt  }
0x6e: {  	_ =	shalt  }
0x6f: {  	_ =	shalt  }
0x70: {  	_ =	shalt  }
0x71: {  	_ =	shalt  }
0x72: {  	_ =	shalt  }
0x73: {  	_ =	shalt  }
0x74: {  	_ =	shalt  }
0x75: {  	_ =	shalt  }
0x76: {  	_ =	shalt  }
0x77: {  	_ =	shalt  }
0x78: {  	_ =	shalt  }
0x79: {  	_ =	shalt  }
0x7a: {  	_ =	shalt  }
0x7b: {  	_ =	shalt  }
0x7c: {  	_ =	shalt  }
0x7d: {  	_ =	shalt  }
0x7e: {  	_ =	shalt  }
0x7f: {  	_ =	shalt  }
0x80: {  	_ =	shalt  }
0x81: {  	_ =	shalt  }
0x82: {  	_ =	shalt  }
0x83: {  	_ =	shalt  }
0x84: {  	_ =	shalt  }
0x85: {  	_ =	shalt  }
0x86: {  	_ =	shalt  }
0x87: {  	_ =	shalt  }
.Lfunc_end0:
.L_simem_size_0:
called_computation_lowered:
.L_overlay_start_0:
0x88: {  	s2 =	sld [smem:$0x3FD9]  }
0x89: {  	s3 =	sld [smem:$0x3FFE];
	_ =	sdelay $0x1  }
0x8a: {  	s1 =	srdreg.scid  }
0x8b: {  	s0 =	sand.u32 $0x1, s1  }
0x8c: {  	s17 =	sshll.u32 s0, $0xA;
	s2 =	sadd.s32 s3, s2  }
0x8d: {  	s2 =	sadd.s32 s2, s17  }
0x8e: {  	[smem:$0x3FBE] =	sst s2  }
0x8f: {  	_ = 	snop  }
0x90: {  	s2 =	sld [smem:$0x3FC9];
	(tm) =	ssettm $0x1  }
0x91: {  	s18 =	sld [smem:$0x3FFB];
	_ =	sdelay $0x3  }
0x92: {  	_ =	strace s18  }
0x93: {  	s3 =	sld [smem:$0x3FFC];
	_ =	sdelay $0x3  }
0x94: {  	_ =	strace s3  }
0x95: {  	s3 =	sld [smem:$0x3FFD];
	_ =	sdelay $0x3  }
0x96: {  	_ =	strace s3  }
0x97: {  	_ =	strace $0x8FFFFFFF  }
0x98: {  	s19 =	sld [smem:$0x3FDB];
	_ =	sdelay $0x1  }
0x99: {  	s4 =	simm.s32 $_scs_section_size  }
0x9a: {  	s5 =	simm.s32 $_size__tile_overlayer_lowered;
	s6 =	simm.s32 $_tile_overlayer_lowered  }
0x9b: {  	s22 =	simm.s32 $0x1BFF;
	s21 =	sshll.u32 s6, $0x1;
	s3 =	sadd.s32 s4, s19  }
0x9c: {  	s7 =	simm.s32 $0x0;
	s20 =	sshll.u32 s5, $0x1;
	s5 =	sadd.s32 s21, s3  }
0x9d: {  	[timem:s7], [sflag:s22] =	dma.local [hbm:s5], s20  }
0x9e: {  	_ =	swait.ge [sflag:s22], s20  }
0x9f: {  	s4 =	ssub.s32 $0x0, s20;
	[sflag:s22] =	ssyncset.done $0x0  }
0xa0: {  	[sflag:s22] =	ssyncadd.s32 s4;
	_ =	sdelay $0x1  }
0xa1: {  	s23 =	simm.s32 $0x1B8B  }
0xa2: {  	_ =	swait.ge [sflag:s23], $0x1  }
0xa3: {  	[sflag:s23] =	ssyncset.done $0x0  }
0xa4: {  	s25 =	simm.s32 $0x1B8E;
	s24 =	sld [smem:$0x3FFE];
	[sflag:s23] =	ssyncadd.s32 $0xFFFFFFFF  }
0xa5: {  	s26 =	simm.s32 $execute0_lowered;
	[smem:$0x3FD2] =	sst s25  }
0xa6: {  	s5 =	sshll.u32 s26, $0x1;
	_ =	strace $0x80000046;
	[dreg:$0x1] =	wrdreg $0xFFFFFFFF  }
0xa7: {  	s28 =	simm.s32 $_size_execute0_lowered;
	s3 =	sadd.s32 s3, s5;
	[dreg:$0x0] =	wrdreg $0x0  }
0xa8: {  	s5 =	sshll.u32 s28, $0x1;
	[dreg:$0x2] =	wrdreg s3  }
0xa9: {  	[dreg:$0x3] =	wrdreg s5  }
0xaa: {  	[dreg:$0x4] =	wrdreg $0xC0  }
0xab: {  	_ =	task [dreg:s7], $0x5FFFF  }
0xac: {  	[dreg:$0x1] =	wrdreg $0xFFFFFFFF  }
0xad: {  	[dreg:$0x0] =	wrdreg $0x60  }
0xae: {  	[dreg:$0x2] =	wrdreg s2  }
0xaf: {  	[dreg:$0x3] =	wrdreg s24  }
0xb0: {  	[dreg:$0x4] =	wrdreg $0x0  }
0xb1: {  	[dreg:$0x5] =	wrdreg $0x9  }
0xb2: {  	_ =	task.clear_ibuf [dreg:s7], $0x6FFFF;
	_ =	strace $0x90000046  }
0xb3: {  	s29 =	simm.s32 $0x9;
	_ =	strace $0x80000048  }
0xb4: {  	_ =	swait.ge [sflag:s29], $0x1  }
0xb5: {  	[sflag:s29] =	ssyncadd.s32 $0xFFFFFFFF  }
0xb6: {  	_ =	strace $0x90000048  }
0xb7: {  	_ =	sfence  }
0xb8: {  	s30 =	sld [smem:$0x0];
	_ =	sdelay $0x2  }
0xb9: {  	s31 =	sshll.u32 s1, $0xD;
	s1 =	sshrl.u32 s1, $0x2  }
0xba: {  	s3 =	sand.u32 $0x4000, s31;
	s1 =	sadd.s32 s1, s30  }
0xbb: {  	s0 =	sor.u32 s3, s0;
	s1 =	sshll.u32 s1, $0x11  }
0xbc: {  	s0 =	sor.u32 s1, s0  }
0xbd: {  	s0 =	sadd.s32 $0x8F2B, s0  }
0xbe: {  	[sflag:s0] =	ssyncadd.remote.s32 $0x1  }
0xbf: {  	_ =	sfence.sel $0xFFFF  }
0xc0: {  	[dreg:$0x0] =	wrdreg $0xFFFFFFFF;
	(pc) =	sbr.abs _section_cstart, $3  }
0xc1: {  	[dreg:$0x1] =	wrdreg $0xFFFFFFFF  }
0xc2: {  	_ =	task.clear_ibuf [dreg:s7], $0x2FFFF;
	_ =	strace $0x9FFFFFFF  }
0xc3: {  	(tm) =	ssettm $0x7FFFFFFF  }
tec
execute0_lowered:
.L_overlay_start_1:
0x0: {  	(tag) =	ssettag $0x1  }
0x1: {  	s1 =	rddreg [dreg:$0x0]  }
0x2: {  	s9 =	rddreg [dreg:$0x1]  }
0x3: {  	s0 =	srdreg.scid;
	s5 =	rddreg [dreg:$0x2]  }
0x4: {  	s3 =	simm.s32 $0x0;
	s12 =	simm.s32 $0x42400;
	s14 =	simm.s32 $0x50  }
0x5: {  	s15 =	simm.s32 $0x18F00;
	s16 =	simm.s32 $0x1;
	s17 =	simm.s32 $0x1B700  }
0x6: {  	s18 =	simm.s32 $0x2;
	s19 =	simm.s32 $0x16670;
	s20 =	simm.s32 $0x0  }
0x7: {  	s6 =	sand.u32 $0x1, s0;
	s0 =	stileid.u32;
	[smem:$0x7FF] =	sst s3  }
0x8: {  	s2 =	sshll.u32 s6, $0x4;
	s7 =	smul.u32 $0x50000, s0;
	s10 =	ssub.s32 $0x2, s6  }
0x9: {  	s31 =	sshll.u32 s0, $0x6;
	p0 =	seq.s32 s6, $0x1;
	s13 =	smul.u32 $0x2800, s0  }
0xa: {  	s4 =	sor.u32 s0, s2;
	s2 =	rddreg [dreg:$0x3];
	_ =	strace $0x80000047  }
0xb: {  	s11 =	sshrl.u32 s10, $0x1;
	s12 =	simm.s32 @!p0 $0x1A400;
	s4 =	smul.u32 $0x4E2, s4  }
0xc: {  	s7 =	sshrl.u32 s7, $0x2;
	s10 =	ssub.s32 s10, s11;
	s11 =	simm.s32 $0x3  }
0xd: {  	s30 =	sadd.s32 s7, s5;
	s5 =	sor.u32 $0x1C03, s31;
	s8 =	sadd.s32 s4, s9  }
0xe: {  	s4 =	sadd.s32 $0x17C00, s9;
	s9 =	sadd.s32 s12, s9;
	s12 =	simm.s32 $0x14000  }
0xf: {  	s6 =	sadd.s32 $0xDE00, s8;
	s7 =	sadd.s32 $0x4000, s8;
	s8 =	smax.u32 s10, $0x1  }
0x10: {  	s9 =	sadd.s32 s9, s13;
	s10 =	sshrl.u32 s30, $0x3;
	s13 =	simm.s32 $0x16780  }
.LBB2_1:
0x11: {  	[spmem:s10], [sflag:s5] =	dma.local [hbm:s4], $0x2800  }
0x12: {  	_ =	swait.ge [sflag:s11], $0x2800  }
0x13: {  	[sflag:s11] =	ssyncset.done $0x0  }
0x14: {  	[sflag:s11] =	ssyncadd.s32 $0xFFFFD800  }
0x15: {  	[tilespmem:s12], [sflag:$0x3] =	stream.linear.gather [hbm4b:s6+s3], $0x2710, $0x38;
	[tilespmem:$0x1DF00] =	vst v63  }
0x16: {  	_ =	swait.ge [sflag:s11], $0x2710  }
0x17: {  	[sflag:s11] =	ssyncset.done $0x0  }
0x18: {  	[sflag:s11] =	ssyncadd.s32 $0xFFFFD8F0  }
0x19: {  	[tilespmem:s13], [sflag:$0x3] =	stream.linear.gather [hbm4b:s7+s3], $0x2710, $0x38;
	[tilespmem:$0x1DF00] =	vst v63  }
0x1a: {  	_ =	swait.ge [sflag:s11], $0x2710  }
0x1b: {  	[sflag:s11] =	ssyncset.done $0x0  }
0x1c: {  	[sflag:s11] =	ssyncadd.s32 $0xFFFFD8F0  }
0x1d: {  	[tilespmem:s15], [sflag:$0x1] =	stream.indirect.gather [hbm4b:s1+s14], $0x80, s12, s14, $0xb8;
	[tilespmem:$0x1DF00] =	vst v63  }
0x1e: {  	[bflag:$0x0] =	sbarrier.arrive $0xFFFF  }
0x1f: {  	_ =	swait.ge [sflag:s16], $0x2800  }
0x20: {  	[sflag:s16] =	ssyncset.done $0x0  }
0x21: {  	s21 =	simm.s32 $0x14050;
	[sflag:s16] =	ssyncadd.s32 $0xFFFFD800  }
0x22: {  	[tilespmem:s17], [sflag:$0x2] =	stream.indirect.gather [hbm4b:s1+s14], $0x80, s21, s14, $0xb8;
	[tilespmem:$0x1DF00] =	vst v63  }
0x23: {  	_ =	swait.ge [sflag:s18], $0x2800  }
0x24: {  	[sflag:s18] =	ssyncset.done $0x0  }
0x25: {  	s22 =	simm.s32 $0x140A0;
	s21 =	simm.s32 $0xFFFF6A00;
	[sflag:s18] =	ssyncadd.s32 $0xFFFFD800  }
.LBB2_2:
0x26: {  	[tilespmem:s15], [sflag:$0x1] =	stream.indirect.gather [hbm4b:s1+s14], $0x80, s22, s14, $0xb8;
	[tilespmem:$0x1DF00] =	vst v63  }
0x27: {  	s22 =	smov.u32 s21  }
0x28: {  	p0 =	sne.s32 s21, $0xFFFFFD80;
	s21 =	sadd.s32 $0x280, s21;
	_ =	swait.ge [sflag:s16], $0x2800  }
0x29: {  	s22 =	sshra.s32 s22, $0x2;
	[sflag:s16] =	ssyncset.done $0x0  }
.Ltmp0:
0x2a: {  	s23 =	sadd.s32 $0x16670, s22;
	[sflag:s16] =	ssyncadd.s32 $0xFFFFD800;
	(pc) =	sbr.rel @p0 .LBB2_2-.Ltmp0, $4  }
0x2b: {  	[tilespmem:s17], [sflag:$0x2] =	stream.indirect.gather [hbm4b:s1+s14], $0x80, s23, s14, $0xb8;
	[tilespmem:$0x1DF00] =	vst v63  }
0x2c: {  	_ =	swait.ge [sflag:s18], $0x2800  }
0x2d: {  	[sflag:s18] =	ssyncset.done $0x0  }
0x2e: {  	s22 =	sadd.s32 $0x166C0, s22;
	[sflag:s18] =	ssyncadd.s32 $0xFFFFD800  }
0x2f: {  	[tilespmem:s15], [sflag:$0x1] =	stream.indirect.gather [hbm4b:s1+s14], $0x80, s22, s14, $0xb8;
	[tilespmem:$0x1DF00] =	vst v63  }
0x30: {  	_ =	swait.ge [sflag:s16], $0x2800  }
0x31: {  	[sflag:s16] =	ssyncset.done $0x0  }
0x32: {  	[sflag:s16] =	ssyncadd.s32 $0xFFFFD800  }
0x33: {  	[tilespmem:s17], [sflag:$0x2] =	stream.indirect.gather [hbm4b:s1+s14], $0x80, s19, s14, $0xb8;
	[tilespmem:$0x1DF00] =	vst v63  }
0x34: {  	_ =	swait.ge [sflag:s18], $0x2800  }
0x35: {  	s20 =	sadd.s32 $0x1, s20;
	[sflag:s18] =	ssyncset.done $0x0  }
0x36: {  	p0 =	sne.s32 s20, s8;
	[sflag:s18] =	ssyncadd.s32 $0xFFFFD800  }
.Ltmp1:
0x37: {  	[bflag:$0x0] =	sbarrier.arrive $0xFFFF;
	(pc) =	sbr.rel @p0 .LBB2_1-.Ltmp1, $4  }
0x38: {  	[hbm:s9], [sflag:s5] =	dma.local [spmem:s10], $0x2800  }
0x39: {  	_ =	swait.ge [sflag:s11], $0x2800  }
0x3a: {  	[sflag:s11] =	ssyncset.done $0x0  }
0x3b: {  	[sflag:s11] =	ssyncadd.s32 $0xFFFFD800  }
0x3c: {  	_ =	sfence.sel $0x180000  }
0x3d: {  	[bflag:$0x0] =	sbarrier.arrive $0xFFFF  }
0x3e: {  	p0 =	sne.s32 s0, $0x0;
	_ =	strace $0x90000047  }
0x3f: {  	s0 =	sadd.s32 @!p0 $0x100000, s2;
	[bflag:$0x2] =	sbarrier.arrive $0xFFFF  }
0x40: {  	[sflag:s0] =	ssyncadd.tile.s32 @!p0 $0x1;
	_ =	shalt  }
.Lfunc_end2:
_tile_overlayer_lowered:
.L_overlay_start_2:
0x41: {  	(tag) =	ssettag $0x2  }
0x42: {  	s0 =	rddreg [dreg:$0x0];
	s2 =	stileid.u32  }
0x43: {  	s1 =	rddreg [dreg:$0x1];
	p0 =	sne.s32 s2, $0x0  }
0x44: {  	s3 =	rddreg [dreg:$0x2];
	[bflag:$0x3] =	sbarrier.arrive $0xFFFF;
	s2 =	simm.s32 @!p0 $0x1C03  }
0x45: {  	[timem:s3], [sflag:s2] =	dma.local @!p0 [hbm:s0], s1  }
0x46: {  	s0 =	simm.s32 @!p0 $0x3  }
0x47: {  	_ =	swait.ge @!p0 [sflag:s0], s1  }
0x48: {  	s1 =	ssub.s32 @!p0 $0x0, s1;
	[sflag:s0] =	ssyncset.done @!p0 $0x0  }
0x49: {  	[sflag:s0] =	ssyncadd.s32 @!p0 s1  }
0x4a: {  	[bflag:$0x3] =	sbarrier.arrive $0xFFFF  }
0x4b: {  	_ =	shalt  }

</sc_bundles>
